<compile_context>
chip_gen: v7x
topology: tpu7x:2x2x1
jax: 0.10.2.dev20260603
libtpu: 0.0.44.dev20260713+nightly
codegen_flags: <defaults>
</compile_context>

<pallas_src>
import functools

import jax
import jax.numpy as jnp
from jax import lax
from jax.experimental import pallas as pl
from jax.experimental.pallas import tpu as pltpu
from jax.experimental.pallas import tpu_sc as plsc

N_X = 100000
D_X = 64
N_E = 3200000
D_E = 16
V_E = 512

CX = 200
CE = 2000


def _build():
    info = plsc.get_sparse_core_info()
    nc, ns = info.num_cores, info.num_subcores
    nw = nc * ns

    ncx = N_X // CX
    nce = N_E // CE
    tx = -(-ncx // nw)
    te = nce // nw
    tx_pairs = tx // 2
    te_pairs = te // 2

    mesh = plsc.VectorSubcoreMesh(core_axis_name="c", subcore_axis_name="s")

    @functools.partial(
        pl.kernel,
        mesh=mesh,
        out_type=[
            jax.ShapeDtypeStruct((N_X, D_X), jnp.float32),
            jax.ShapeDtypeStruct((N_E, D_E), jnp.float32),
        ],
        scratch_types=[
            pltpu.VMEM((CX,), jnp.int32),
            pltpu.VMEM((CX,), jnp.int32),
            pltpu.VMEM((CX, D_X), jnp.float32),
            pltpu.VMEM((CX, D_X), jnp.float32),
            pltpu.VMEM((CE,), jnp.int32),
            pltpu.VMEM((CE,), jnp.int32),
            pltpu.VMEM((CE, D_E), jnp.float32),
            pltpu.VMEM((CE, D_E), jnp.float32),
            pltpu.SemaphoreType.DMA,
            pltpu.SemaphoreType.DMA,
            pltpu.SemaphoreType.DMA,
            pltpu.SemaphoreType.DMA,
            pltpu.SemaphoreType.DMA,
            pltpu.SemaphoreType.DMA,
        ],
        compiler_params=pltpu.CompilerParams(
            use_tc_tiling_on_sc=False, needs_layout_passes=False),
    )
    def emb(x_hbm, e_hbm, xtab_hbm, etab_hbm, outx_hbm, oute_hbm,
            idx_x0, idx_x1, rows_x0, rows_x1,
            idx_e0, idx_e1, rows_e0, rows_e1,
            s_i0, s_i1, s_g0, s_g1, s_o0, s_o1):
        wid = lax.axis_index("s") * nc + lax.axis_index("c")

        def run_phase(idx_hbm, tab_hbm, out_hbm, idx0, idx1, r0, r1,
                      chunk, n_chunks, n_pairs, n_tiles):
            def base(t):
                return (wid + t * nw) * chunk

            def valid(t):
                return (wid + t * nw) < n_chunks

            pltpu.async_copy(idx_hbm.at[pl.ds(base(0), chunk)], idx0, s_i0)
            pltpu.async_copy(idx_hbm.at[pl.ds(base(1), chunk)], idx1, s_i1)

            def body(j, carry):
                t0 = 2 * j
                t1 = 2 * j + 1

                @pl.when(j > 0)
                def _():
                    pltpu.make_async_copy(
                        r0, out_hbm.at[pl.ds(base(t0 - 2), chunk)],
                        s_o0).wait()

                pltpu.make_async_copy(
                    idx_hbm.at[pl.ds(base(t0), chunk)], idx0, s_i0).wait()
                pltpu.async_copy(tab_hbm.at[idx0], r0, s_g0)

                @pl.when(j > 0)
                def _():
                    pltpu.make_async_copy(
                        r1, out_hbm.at[pl.ds(base(t1 - 2), chunk)],
                        s_o1).wait()

                @pl.when(valid(t1))
                def _():
                    pltpu.make_async_copy(
                        idx_hbm.at[pl.ds(base(t1), chunk)], idx1, s_i1).wait()
                    pltpu.async_copy(tab_hbm.at[idx1], r1, s_g1)

                pltpu.make_async_copy(tab_hbm.at[idx0], r0, s_g0).wait()
                pltpu.async_copy(r0, out_hbm.at[pl.ds(base(t0), chunk)], s_o0)

                @pl.when(j < n_pairs - 1)
                def _():
                    pltpu.async_copy(
                        idx_hbm.at[pl.ds(base(t0 + 2), chunk)], idx0, s_i0)

                @pl.when(valid(t1))
                def _():
                    pltpu.make_async_copy(tab_hbm.at[idx1], r1, s_g1).wait()
                    pltpu.async_copy(
                        r1, out_hbm.at[pl.ds(base(t1), chunk)], s_o1)

                @pl.when(valid(t1 + 2))
                def _():
                    pltpu.async_copy(
                        idx_hbm.at[pl.ds(base(t1 + 2), chunk)], idx1, s_i1)

                return carry

            lax.fori_loop(0, n_pairs, body, 0)

            pltpu.make_async_copy(
                r0, out_hbm.at[pl.ds(base(n_tiles - 2), chunk)], s_o0).wait()

            @pl.when(valid(n_tiles - 1))
            def _():
                pltpu.make_async_copy(
                    r1, out_hbm.at[pl.ds(base(n_tiles - 1), chunk)],
                    s_o1).wait()

        run_phase(x_hbm, xtab_hbm, outx_hbm, idx_x0, idx_x1,
                  rows_x0, rows_x1, CX, ncx, tx_pairs, tx)
        run_phase(e_hbm, etab_hbm, oute_hbm, idx_e0, idx_e1,
                  rows_e0, rows_e1, CE, nce, te_pairs, te)

    return emb


_EMB = _build()


def kernel(x, edge_attr, embed_x_table, embed_edge_table):
    x = x.astype(jnp.int32)
    edge_attr = edge_attr.astype(jnp.int32)
    out_x, out_edge = _EMB(x, edge_attr, embed_x_table, embed_edge_table)
    return (out_x, out_edge)

# --- scband reference (transcript-rebuilt; emitter-appended) ---
"""Pipeline reference for scband-embedding-89842125898315 (READ-ONLY COPY).

The authoritative reference and input builder live on the scoring server;
editing this copy changes nothing except your own understanding.
"""

import jax, jax.numpy as jnp
import numpy as np

UNIQUE_X = 100000
UNIQUE_EDGE_ATTR = 512
EMB_DIM_X = 64
EMB_DIM_EDGE = 16
N_NODES = 100000
N_EDGES = 3200000


def setup_inputs(seed: int = 0) -> dict:
    key = jax.random.key(seed)
    k1, k2, k3, k4 = jax.random.split(key, 4)
    x = jax.random.randint(k1, (N_NODES,), 0, UNIQUE_X, dtype=jnp.int64 if jax.config.jax_enable_x64 else jnp.int32)
    edge_attr = jax.random.randint(k2, (N_EDGES,), 0, UNIQUE_EDGE_ATTR, dtype=jnp.int64 if jax.config.jax_enable_x64 else jnp.int32)
    # nn.Embedding default init: N(0, 1)
    embed_x_table = jax.random.normal(k3, (UNIQUE_X, EMB_DIM_X), dtype=jnp.float32)
    embed_edge_table = jax.random.normal(k4, (UNIQUE_EDGE_ATTR, EMB_DIM_EDGE), dtype=jnp.float32)
    return {"x": x, "edge_attr": edge_attr, "embed_x_table": embed_x_table, "embed_edge_table": embed_edge_table}


def reference(x, edge_attr, embed_x_table, embed_edge_table):
    # use_embed=True branch: plain embedding lookups (gather)
    out_x = jnp.take(embed_x_table, x, axis=0)
    out_edge = jnp.take(embed_edge_table, edge_attr, axis=0)
    return (out_x, out_edge)

if __name__ == "__main__":
    import jax
    _d = setup_inputs()
    print(jax.jit(kernel)(*tuple(_d.values())))

</pallas_src>

<mosaic_0001>
#map = affine_map<(d0, d1) -> (0)>
#map1 = affine_map<(d0, d1) -> (0, 0)>
module attributes {stable_mosaic.version = 14 : i64} {
  func.func @emb(%arg0: i32, %arg1: i32, %arg2: memref<100000xi32, #tpu.memory_space<hbm>>, %arg3: memref<3200000xi32, #tpu.memory_space<hbm>>, %arg4: memref<100000x64xf32, #tpu.memory_space<hbm>>, %arg5: memref<512x16xf32, #tpu.memory_space<hbm>>, %arg6: memref<100000x64xf32, #tpu.memory_space<hbm>>, %arg7: memref<3200000x16xf32, #tpu.memory_space<hbm>>, %arg8: memref<200xi32, #tpu.memory_space<vmem>>, %arg9: memref<200xi32, #tpu.memory_space<vmem>>, %arg10: memref<200x64xf32, #tpu.memory_space<vmem>>, %arg11: memref<200x64xf32, #tpu.memory_space<vmem>>, %arg12: memref<2000xi32, #tpu.memory_space<vmem>>, %arg13: memref<2000xi32, #tpu.memory_space<vmem>>, %arg14: memref<2000x16xf32, #tpu.memory_space<vmem>>, %arg15: memref<2000x16xf32, #tpu.memory_space<vmem>>, %arg16: memref<!tpu.dma_semaphore, #tpu.memory_space<semaphore_mem>>, %arg17: memref<!tpu.dma_semaphore, #tpu.memory_space<semaphore_mem>>, %arg18: memref<!tpu.dma_semaphore, #tpu.memory_space<semaphore_mem>>, %arg19: memref<!tpu.dma_semaphore, #tpu.memory_space<semaphore_mem>>, %arg20: memref<!tpu.dma_semaphore, #tpu.memory_space<semaphore_mem>>, %arg21: memref<!tpu.dma_semaphore, #tpu.memory_space<semaphore_mem>>) attributes {dimension_semantics = [#tpu.dimension_semantics<core_parallel>, #tpu.dimension_semantics<subcore_parallel>], iteration_bounds = array<i64: 2, 16>, scalar_prefetch = 0 : i64, scratch_operands = 14 : i64, tpu.core_type = #tpu.core_type<sc_vector_subcore>, window_params = [{transform_indices = #map}, {transform_indices = #map}, {transform_indices = #map1}, {transform_indices = #map1}, {transform_indices = #map1}, {transform_indices = #map1}]} {
    %mul3A = arith.constant 2 : i32
    %mul3A_0 = arith.muli %arg1, %mul3A : i32
    %add3A = arith.addi %mul3A_0, %arg0 : i32
    %add3A_1 = arith.constant 0 : i32
    %add3A_2 = arith.addi %add3A, %add3A_1 : i32
    %mul3A_3 = arith.constant 200 : i32
    %mul3A_4 = arith.muli %add3A_2, %mul3A_3 : i32
    %dma_start3A = tpu.memref_slice %arg2[%mul3A_4] : memref<100000xi32, #tpu.memory_space<hbm>> -> memref<200xi32, #tpu.memory_space<hbm>>
    %dma_start3A_5 = tpu.memref_slice %arg2[%mul3A_4] : memref<100000xi32, #tpu.memory_space<hbm>> -> memref<200xi32, #tpu.memory_space<hbm>>
    tpu.enqueue_dma source(%dma_start3A_5 : memref<200xi32, #tpu.memory_space<hbm>>) target(%arg8 : memref<200xi32, #tpu.memory_space<vmem>>) target_semaphore(%arg16 : memref<!tpu.dma_semaphore, #tpu.memory_space<semaphore_mem>>)
    %add3A_6 = arith.constant 32 : i32
    %add3A_7 = arith.addi %add3A, %add3A_6 : i32
    %mul3A_8 = arith.constant 200 : i32
    %mul3A_9 = arith.muli %add3A_7, %mul3A_8 : i32
    %dma_start3A_10 = tpu.memref_slice %arg2[%mul3A_9] : memref<100000xi32, #tpu.memory_space<hbm>> -> memref<200xi32, #tpu.memory_space<hbm>>
    %dma_start3A_11 = tpu.memref_slice %arg2[%mul3A_9] : memref<100000xi32, #tpu.memory_space<hbm>> -> memref<200xi32, #tpu.memory_space<hbm>>
    tpu.enqueue_dma source(%dma_start3A_11 : memref<200xi32, #tpu.memory_space<hbm>>) target(%arg9 : memref<200xi32, #tpu.memory_space<vmem>>) target_semaphore(%arg17 : memref<!tpu.dma_semaphore, #tpu.memory_space<semaphore_mem>>)
    %scan3A = arith.constant 0 : i32
    %scan3A_12 = arith.constant 0 : i32
    %scan3A_13 = arith.constant 8 : i32
    %scan3A_14 = arith.addi %scan3A_12, %scan3A_13 : i32
    %scan3A_15 = arith.constant 1 : i32
    scf.for %scan3A_61 = %scan3A_12 to %scan3A_14 step %scan3A_15  : i32 {
      %mul3A_62 = arith.constant 2 : i32
      %mul3A_63 = arith.muli %mul3A_62, %scan3A_61 : i32
      %mul3A_64 = arith.constant 2 : i32
      %mul3A_65 = arith.muli %mul3A_64, %scan3A_61 : i32
      %add3A_66 = arith.constant 1 : i32
      %add3A_67 = arith.addi %mul3A_65, %add3A_66 : i32
      %gt3A = arith.constant 0 : i32
      %gt3A_68 = arith.cmpi sgt, %scan3A_61, %gt3A : i32
      %convert_element_type3A_69 = arith.extui %gt3A_68 : i1 to i32
      %cond3A_70 = arith.constant 0 : i32
      %cond3A_71 = arith.cmpi ne, %convert_element_type3A_69, %cond3A_70 : i32
      scf.if %cond3A_71 {
        %sub3A = arith.constant 2 : i32
        %sub3A_130 = arith.subi %mul3A_63, %sub3A : i32
        %mul3A_131 = arith.constant 32 : i32
        %mul3A_132 = arith.muli %sub3A_130, %mul3A_131 : i32
        %add3A_133 = arith.addi %add3A, %mul3A_132 : i32
        %mul3A_134 = arith.constant 200 : i32
        %mul3A_135 = arith.muli %add3A_133, %mul3A_134 : i32
        %dma_wait3A_136 = arith.constant 0 : i32
        %dma_wait3A_137 = tpu.memref_slice %arg6[%mul3A_135, %dma_wait3A_136] : memref<100000x64xf32, #tpu.memory_space<hbm>> -> memref<200x64xf32, #tpu.memory_space<hbm>>
        %dma_wait3A_138 = arith.constant 0 : i32
        %dma_wait3A_139 = tpu.memref_slice %arg6[%mul3A_135, %dma_wait3A_138] : memref<100000x64xf32, #tpu.memory_space<hbm>> -> memref<200x64xf32, #tpu.memory_space<hbm>>
        tpu.wait_dma2 semaphore(%arg20 : memref<!tpu.dma_semaphore, #tpu.memory_space<semaphore_mem>>) src(%arg10 : memref<200x64xf32, #tpu.memory_space<vmem>>) dst(%dma_wait3A_139 : memref<200x64xf32, #tpu.memory_space<hbm>>)
      } else {
      }
      %mul3A_72 = arith.constant 32 : i32
      %mul3A_73 = arith.muli %mul3A_63, %mul3A_72 : i32
      %add3A_74 = arith.addi %add3A, %mul3A_73 : i32
      %mul3A_75 = arith.constant 200 : i32
      %mul3A_76 = arith.muli %add3A_74, %mul3A_75 : i32
      %dma_wait3A_77 = tpu.memref_slice %arg2[%mul3A_76] : memref<100000xi32, #tpu.memory_space<hbm>> -> memref<200xi32, #tpu.memory_space<hbm>>
      %dma_wait3A_78 = tpu.memref_slice %arg2[%mul3A_76] : memref<100000xi32, #tpu.memory_space<hbm>> -> memref<200xi32, #tpu.memory_space<hbm>>
      tpu.wait_dma2 semaphore(%arg16 : memref<!tpu.dma_semaphore, #tpu.memory_space<semaphore_mem>>) src(%dma_wait3A_78 : memref<200xi32, #tpu.memory_space<hbm>>) dst(%arg8 : memref<200xi32, #tpu.memory_space<vmem>>)
      %dma_start3A_79 = arith.constant 0 : i32
      %dma_start3A_80 = arith.constant 0 : i32
      %dma_start3A_81 = tpu.memref_slice %arg4[%dma_start3A_79, %dma_start3A_80] : memref<100000x64xf32, #tpu.memory_space<hbm>> -> memref<100000x64xf32, #tpu.memory_space<hbm>>
      tpu.enqueue_indirect_dma source(%dma_start3A_81 : memref<100000x64xf32, #tpu.memory_space<hbm>>) target(%arg10 : memref<200x64xf32, #tpu.memory_space<vmem>>) offsets(%arg8 : memref<200xi32, #tpu.memory_space<vmem>>) semaphore(%arg18 : memref<!tpu.dma_semaphore, #tpu.memory_space<semaphore_mem>>)
      %gt3A_82 = arith.constant 0 : i32
      %gt3A_83 = arith.cmpi sgt, %scan3A_61, %gt3A_82 : i32
      %convert_element_type3A_84 = arith.extui %gt3A_83 : i1 to i32
      %cond3A_85 = arith.constant 0 : i32
      %cond3A_86 = arith.cmpi ne, %convert_element_type3A_84, %cond3A_85 : i32
      scf.if %cond3A_86 {
        %sub3A = arith.constant 2 : i32
        %sub3A_130 = arith.subi %add3A_67, %sub3A : i32
        %mul3A_131 = arith.constant 32 : i32
        %mul3A_132 = arith.muli %sub3A_130, %mul3A_131 : i32
        %add3A_133 = arith.addi %add3A, %mul3A_132 : i32
        %mul3A_134 = arith.constant 200 : i32
        %mul3A_135 = arith.muli %add3A_133, %mul3A_134 : i32
        %dma_wait3A_136 = arith.constant 0 : i32
        %dma_wait3A_137 = tpu.memref_slice %arg6[%mul3A_135, %dma_wait3A_136] : memref<100000x64xf32, #tpu.memory_space<hbm>> -> memref<200x64xf32, #tpu.memory_space<hbm>>
        %dma_wait3A_138 = arith.constant 0 : i32
        %dma_wait3A_139 = tpu.memref_slice %arg6[%mul3A_135, %dma_wait3A_138] : memref<100000x64xf32, #tpu.memory_space<hbm>> -> memref<200x64xf32, #tpu.memory_space<hbm>>
        tpu.wait_dma2 semaphore(%arg21 : memref<!tpu.dma_semaphore, #tpu.memory_space<semaphore_mem>>) src(%arg11 : memref<200x64xf32, #tpu.memory_space<vmem>>) dst(%dma_wait3A_139 : memref<200x64xf32, #tpu.memory_space<hbm>>)
      } else {
      }
      %mul3A_87 = arith.constant 32 : i32
      %mul3A_88 = arith.muli %add3A_67, %mul3A_87 : i32
      %add3A_89 = arith.addi %add3A, %mul3A_88 : i32
      %lt3A_90 = arith.constant 500 : i32
      %lt3A_91 = arith.cmpi slt, %add3A_89, %lt3A_90 : i32
      %convert_element_type3A_92 = arith.extui %lt3A_91 : i1 to i32
      %cond3A_93 = arith.constant 0 : i32
      %cond3A_94 = arith.cmpi ne, %convert_element_type3A_92, %cond3A_93 : i32
      scf.if %cond3A_94 {
        %mul3A_130 = arith.constant 32 : i32
        %mul3A_131 = arith.muli %add3A_67, %mul3A_130 : i32
        %add3A_132 = arith.addi %add3A, %mul3A_131 : i32
        %mul3A_133 = arith.constant 200 : i32
        %mul3A_134 = arith.muli %add3A_132, %mul3A_133 : i32
        %dma_wait3A_135 = tpu.memref_slice %arg2[%mul3A_134] : memref<100000xi32, #tpu.memory_space<hbm>> -> memref<200xi32, #tpu.memory_space<hbm>>
        %dma_wait3A_136 = tpu.memref_slice %arg2[%mul3A_134] : memref<100000xi32, #tpu.memory_space<hbm>> -> memref<200xi32, #tpu.memory_space<hbm>>
        tpu.wait_dma2 semaphore(%arg17 : memref<!tpu.dma_semaphore, #tpu.memory_space<semaphore_mem>>) src(%dma_wait3A_136 : memref<200xi32, #tpu.memory_space<hbm>>) dst(%arg9 : memref<200xi32, #tpu.memory_space<vmem>>)
        %dma_start3A_137 = arith.constant 0 : i32
        %dma_start3A_138 = arith.constant 0 : i32
        %dma_start3A_139 = tpu.memref_slice %arg4[%dma_start3A_137, %dma_start3A_138] : memref<100000x64xf32, #tpu.memory_space<hbm>> -> memref<100000x64xf32, #tpu.memory_space<hbm>>
        tpu.enqueue_indirect_dma source(%dma_start3A_139 : memref<100000x64xf32, #tpu.memory_space<hbm>>) target(%arg11 : memref<200x64xf32, #tpu.memory_space<vmem>>) offsets(%arg9 : memref<200xi32, #tpu.memory_space<vmem>>) semaphore(%arg19 : memref<!tpu.dma_semaphore, #tpu.memory_space<semaphore_mem>>)
      } else {
      }
      %dma_wait3A_95 = arith.constant 0 : i32
      %dma_wait3A_96 = arith.constant 0 : i32
      %dma_wait3A_97 = tpu.memref_slice %arg4[%dma_wait3A_95, %dma_wait3A_96] : memref<100000x64xf32, #tpu.memory_space<hbm>> -> memref<100000x64xf32, #tpu.memory_space<hbm>>
      tpu.wait_indirect_dma semaphore(%arg18 : memref<!tpu.dma_semaphore, #tpu.memory_space<semaphore_mem>>) src(%dma_wait3A_97 : memref<100000x64xf32, #tpu.memory_space<hbm>>) dst(%arg10 : memref<200x64xf32, #tpu.memory_space<vmem>>)
      %mul3A_98 = arith.constant 32 : i32
      %mul3A_99 = arith.muli %mul3A_63, %mul3A_98 : i32
      %add3A_100 = arith.addi %add3A, %mul3A_99 : i32
      %mul3A_101 = arith.constant 200 : i32
      %mul3A_102 = arith.muli %add3A_100, %mul3A_101 : i32
      %dma_start3A_103 = arith.constant 0 : i32
      %dma_start3A_104 = tpu.memref_slice %arg6[%mul3A_102, %dma_start3A_103] : memref<100000x64xf32, #tpu.memory_space<hbm>> -> memref<200x64xf32, #tpu.memory_space<hbm>>
      %dma_start3A_105 = arith.constant 0 : i32
      %dma_start3A_106 = tpu.memref_slice %arg6[%mul3A_102, %dma_start3A_105] : memref<100000x64xf32, #tpu.memory_space<hbm>> -> memref<200x64xf32, #tpu.memory_space<hbm>>
      tpu.enqueue_dma source(%arg10 : memref<200x64xf32, #tpu.memory_space<vmem>>) target(%dma_start3A_106 : memref<200x64xf32, #tpu.memory_space<hbm>>) target_semaphore(%arg20 : memref<!tpu.dma_semaphore, #tpu.memory_space<semaphore_mem>>)
      %lt3A_107 = arith.constant 7 : i32
      %lt3A_108 = arith.cmpi slt, %scan3A_61, %lt3A_107 : i32
      %convert_element_type3A_109 = arith.extui %lt3A_108 : i1 to i32
      %cond3A_110 = arith.constant 0 : i32
      %cond3A_111 = arith.cmpi ne, %convert_element_type3A_109, %cond3A_110 : i32
      scf.if %cond3A_111 {
        %add3A_130 = arith.constant 2 : i32
        %add3A_131 = arith.addi %mul3A_63, %add3A_130 : i32
        %mul3A_132 = arith.constant 32 : i32
        %mul3A_133 = arith.muli %add3A_131, %mul3A_132 : i32
        %add3A_134 = arith.addi %add3A, %mul3A_133 : i32
        %mul3A_135 = arith.constant 200 : i32
        %mul3A_136 = arith.muli %add3A_134, %mul3A_135 : i32
        %dma_start3A_137 = tpu.memref_slice %arg2[%mul3A_136] : memref<100000xi32, #tpu.memory_space<hbm>> -> memref<200xi32, #tpu.memory_space<hbm>>
        %dma_start3A_138 = tpu.memref_slice %arg2[%mul3A_136] : memref<100000xi32, #tpu.memory_space<hbm>> -> memref<200xi32, #tpu.memory_space<hbm>>
        tpu.enqueue_dma source(%dma_start3A_138 : memref<200xi32, #tpu.memory_space<hbm>>) target(%arg8 : memref<200xi32, #tpu.memory_space<vmem>>) target_semaphore(%arg16 : memref<!tpu.dma_semaphore, #tpu.memory_space<semaphore_mem>>)
      } else {
      }
      %mul3A_112 = arith.constant 32 : i32
      %mul3A_113 = arith.muli %add3A_67, %mul3A_112 : i32
      %add3A_114 = arith.addi %add3A, %mul3A_113 : i32
      %lt3A_115 = arith.constant 500 : i32
      %lt3A_116 = arith.cmpi slt, %add3A_114, %lt3A_115 : i32
      %convert_element_type3A_117 = arith.extui %lt3A_116 : i1 to i32
      %cond3A_118 = arith.constant 0 : i32
      %cond3A_119 = arith.cmpi ne, %convert_element_type3A_117, %cond3A_118 : i32
      scf.if %cond3A_119 {
        %dma_wait3A_130 = arith.constant 0 : i32
        %dma_wait3A_131 = arith.constant 0 : i32
        %dma_wait3A_132 = tpu.memref_slice %arg4[%dma_wait3A_130, %dma_wait3A_131] : memref<100000x64xf32, #tpu.memory_space<hbm>> -> memref<100000x64xf32, #tpu.memory_space<hbm>>
        tpu.wait_indirect_dma semaphore(%arg19 : memref<!tpu.dma_semaphore, #tpu.memory_space<semaphore_mem>>) src(%dma_wait3A_132 : memref<100000x64xf32, #tpu.memory_space<hbm>>) dst(%arg11 : memref<200x64xf32, #tpu.memory_space<vmem>>)
        %mul3A_133 = arith.constant 32 : i32
        %mul3A_134 = arith.muli %add3A_67, %mul3A_133 : i32
        %add3A_135 = arith.addi %add3A, %mul3A_134 : i32
        %mul3A_136 = arith.constant 200 : i32
        %mul3A_137 = arith.muli %add3A_135, %mul3A_136 : i32
        %dma_start3A_138 = arith.constant 0 : i32
        %dma_start3A_139 = tpu.memref_slice %arg6[%mul3A_137, %dma_start3A_138] : memref<100000x64xf32, #tpu.memory_space<hbm>> -> memref<200x64xf32, #tpu.memory_space<hbm>>
        %dma_start3A_140 = arith.constant 0 : i32
        %dma_start3A_141 = tpu.memref_slice %arg6[%mul3A_137, %dma_start3A_140] : memref<100000x64xf32, #tpu.memory_space<hbm>> -> memref<200x64xf32, #tpu.memory_space<hbm>>
        tpu.enqueue_dma source(%arg11 : memref<200x64xf32, #tpu.memory_space<vmem>>) target(%dma_start3A_141 : memref<200x64xf32, #tpu.memory_space<hbm>>) target_semaphore(%arg21 : memref<!tpu.dma_semaphore, #tpu.memory_space<semaphore_mem>>)
      } else {
      }
      %add3A_120 = arith.constant 2 : i32
      %add3A_121 = arith.addi %add3A_67, %add3A_120 : i32
      %mul3A_122 = arith.constant 32 : i32
      %mul3A_123 = arith.muli %add3A_121, %mul3A_122 : i32
      %add3A_124 = arith.addi %add3A, %mul3A_123 : i32
      %lt3A_125 = arith.constant 500 : i32
      %lt3A_126 = arith.cmpi slt, %add3A_124, %lt3A_125 : i32
      %convert_element_type3A_127 = arith.extui %lt3A_126 : i1 to i32
      %cond3A_128 = arith.constant 0 : i32
      %cond3A_129 = arith.cmpi ne, %convert_element_type3A_127, %cond3A_128 : i32
      scf.if %cond3A_129 {
        %add3A_130 = arith.constant 2 : i32
        %add3A_131 = arith.addi %add3A_67, %add3A_130 : i32
        %mul3A_132 = arith.constant 32 : i32
        %mul3A_133 = arith.muli %add3A_131, %mul3A_132 : i32
        %add3A_134 = arith.addi %add3A, %mul3A_133 : i32
        %mul3A_135 = arith.constant 200 : i32
        %mul3A_136 = arith.muli %add3A_134, %mul3A_135 : i32
        %dma_start3A_137 = tpu.memref_slice %arg2[%mul3A_136] : memref<100000xi32, #tpu.memory_space<hbm>> -> memref<200xi32, #tpu.memory_space<hbm>>
        %dma_start3A_138 = tpu.memref_slice %arg2[%mul3A_136] : memref<100000xi32, #tpu.memory_space<hbm>> -> memref<200xi32, #tpu.memory_space<hbm>>
        tpu.enqueue_dma source(%dma_start3A_138 : memref<200xi32, #tpu.memory_space<hbm>>) target(%arg9 : memref<200xi32, #tpu.memory_space<vmem>>) target_semaphore(%arg17 : memref<!tpu.dma_semaphore, #tpu.memory_space<semaphore_mem>>)
      } else {
      }
    }
    %scan3A_16 = arith.constant 8 : i32
    %add3A_17 = arith.constant 448 : i32
    %add3A_18 = arith.addi %add3A, %add3A_17 : i32
    %mul3A_19 = arith.constant 200 : i32
    %mul3A_20 = arith.muli %add3A_18, %mul3A_19 : i32
    %dma_wait3A = arith.constant 0 : i32
    %dma_wait3A_21 = tpu.memref_slice %arg6[%mul3A_20, %dma_wait3A] : memref<100000x64xf32, #tpu.memory_space<hbm>> -> memref<200x64xf32, #tpu.memory_space<hbm>>
    %dma_wait3A_22 = arith.constant 0 : i32
    %dma_wait3A_23 = tpu.memref_slice %arg6[%mul3A_20, %dma_wait3A_22] : memref<100000x64xf32, #tpu.memory_space<hbm>> -> memref<200x64xf32, #tpu.memory_space<hbm>>
    tpu.wait_dma2 semaphore(%arg20 : memref<!tpu.dma_semaphore, #tpu.memory_space<semaphore_mem>>) src(%arg10 : memref<200x64xf32, #tpu.memory_space<vmem>>) dst(%dma_wait3A_23 : memref<200x64xf32, #tpu.memory_space<hbm>>)
    %add3A_24 = arith.constant 480 : i32
    %add3A_25 = arith.addi %add3A, %add3A_24 : i32
    %lt3A = arith.constant 500 : i32
    %lt3A_26 = arith.cmpi slt, %add3A_25, %lt3A : i32
    %convert_element_type3A = arith.extui %lt3A_26 : i1 to i32
    %cond3A = arith.constant 0 : i32
    %cond3A_27 = arith.cmpi ne, %convert_element_type3A, %cond3A : i32
    scf.if %cond3A_27 {
      %add3A_61 = arith.constant 480 : i32
      %add3A_62 = arith.addi %add3A, %add3A_61 : i32
      %mul3A_63 = arith.constant 200 : i32
      %mul3A_64 = arith.muli %add3A_62, %mul3A_63 : i32
      %dma_wait3A_65 = arith.constant 0 : i32
      %dma_wait3A_66 = tpu.memref_slice %arg6[%mul3A_64, %dma_wait3A_65] : memref<100000x64xf32, #tpu.memory_space<hbm>> -> memref<200x64xf32, #tpu.memory_space<hbm>>
      %dma_wait3A_67 = arith.constant 0 : i32
      %dma_wait3A_68 = tpu.memref_slice %arg6[%mul3A_64, %dma_wait3A_67] : memref<100000x64xf32, #tpu.memory_space<hbm>> -> memref<200x64xf32, #tpu.memory_space<hbm>>
      tpu.wait_dma2 semaphore(%arg21 : memref<!tpu.dma_semaphore, #tpu.memory_space<semaphore_mem>>) src(%arg11 : memref<200x64xf32, #tpu.memory_space<vmem>>) dst(%dma_wait3A_68 : memref<200x64xf32, #tpu.memory_space<hbm>>)
    } else {
    }
    %add3A_28 = arith.constant 0 : i32
    %add3A_29 = arith.addi %add3A, %add3A_28 : i32
    %mul3A_30 = arith.constant 2000 : i32
    %mul3A_31 = arith.muli %add3A_29, %mul3A_30 : i32
    %dma_start3A_32 = tpu.memref_slice %arg3[%mul3A_31] : memref<3200000xi32, #tpu.memory_space<hbm>> -> memref<2000xi32, #tpu.memory_space<hbm>>
    %dma_start3A_33 = tpu.memref_slice %arg3[%mul3A_31] : memref<3200000xi32, #tpu.memory_space<hbm>> -> memref<2000xi32, #tpu.memory_space<hbm>>
    tpu.enqueue_dma source(%dma_start3A_33 : memref<2000xi32, #tpu.memory_space<hbm>>) target(%arg12 : memref<2000xi32, #tpu.memory_space<vmem>>) target_semaphore(%arg16 : memref<!tpu.dma_semaphore, #tpu.memory_space<semaphore_mem>>)
    %add3A_34 = arith.constant 32 : i32
    %add3A_35 = arith.addi %add3A, %add3A_34 : i32
    %mul3A_36 = arith.constant 2000 : i32
    %mul3A_37 = arith.muli %add3A_35, %mul3A_36 : i32
    %dma_start3A_38 = tpu.memref_slice %arg3[%mul3A_37] : memref<3200000xi32, #tpu.memory_space<hbm>> -> memref<2000xi32, #tpu.memory_space<hbm>>
    %dma_start3A_39 = tpu.memref_slice %arg3[%mul3A_37] : memref<3200000xi32, #tpu.memory_space<hbm>> -> memref<2000xi32, #tpu.memory_space<hbm>>
    tpu.enqueue_dma source(%dma_start3A_39 : memref<2000xi32, #tpu.memory_space<hbm>>) target(%arg13 : memref<2000xi32, #tpu.memory_space<vmem>>) target_semaphore(%arg17 : memref<!tpu.dma_semaphore, #tpu.memory_space<semaphore_mem>>)
    %scan3A_40 = arith.constant 0 : i32
    %scan3A_41 = arith.constant 0 : i32
    %scan3A_42 = arith.constant 25 : i32
    %scan3A_43 = arith.addi %scan3A_41, %scan3A_42 : i32
    %scan3A_44 = arith.constant 1 : i32
    scf.for %scan3A_61 = %scan3A_41 to %scan3A_43 step %scan3A_44  : i32 {
      %mul3A_62 = arith.constant 2 : i32
      %mul3A_63 = arith.muli %mul3A_62, %scan3A_61 : i32
      %mul3A_64 = arith.constant 2 : i32
      %mul3A_65 = arith.muli %mul3A_64, %scan3A_61 : i32
      %add3A_66 = arith.constant 1 : i32
      %add3A_67 = arith.addi %mul3A_65, %add3A_66 : i32
      %gt3A = arith.constant 0 : i32
      %gt3A_68 = arith.cmpi sgt, %scan3A_61, %gt3A : i32
      %convert_element_type3A_69 = arith.extui %gt3A_68 : i1 to i32
      %cond3A_70 = arith.constant 0 : i32
      %cond3A_71 = arith.cmpi ne, %convert_element_type3A_69, %cond3A_70 : i32
      scf.if %cond3A_71 {
        %sub3A = arith.constant 2 : i32
        %sub3A_130 = arith.subi %mul3A_63, %sub3A : i32
        %mul3A_131 = arith.constant 32 : i32
        %mul3A_132 = arith.muli %sub3A_130, %mul3A_131 : i32
        %add3A_133 = arith.addi %add3A, %mul3A_132 : i32
        %mul3A_134 = arith.constant 2000 : i32
        %mul3A_135 = arith.muli %add3A_133, %mul3A_134 : i32
        %dma_wait3A_136 = arith.constant 0 : i32
        %dma_wait3A_137 = tpu.memref_slice %arg7[%mul3A_135, %dma_wait3A_136] : memref<3200000x16xf32, #tpu.memory_space<hbm>> -> memref<2000x16xf32, #tpu.memory_space<hbm>>
        %dma_wait3A_138 = arith.constant 0 : i32
        %dma_wait3A_139 = tpu.memref_slice %arg7[%mul3A_135, %dma_wait3A_138] : memref<3200000x16xf32, #tpu.memory_space<hbm>> -> memref<2000x16xf32, #tpu.memory_space<hbm>>
        tpu.wait_dma2 semaphore(%arg20 : memref<!tpu.dma_semaphore, #tpu.memory_space<semaphore_mem>>) src(%arg14 : memref<2000x16xf32, #tpu.memory_space<vmem>>) dst(%dma_wait3A_139 : memref<2000x16xf32, #tpu.memory_space<hbm>>)
      } else {
      }
      %mul3A_72 = arith.constant 32 : i32
      %mul3A_73 = arith.muli %mul3A_63, %mul3A_72 : i32
      %add3A_74 = arith.addi %add3A, %mul3A_73 : i32
      %mul3A_75 = arith.constant 2000 : i32
      %mul3A_76 = arith.muli %add3A_74, %mul3A_75 : i32
      %dma_wait3A_77 = tpu.memref_slice %arg3[%mul3A_76] : memref<3200000xi32, #tpu.memory_space<hbm>> -> memref<2000xi32, #tpu.memory_space<hbm>>
      %dma_wait3A_78 = tpu.memref_slice %arg3[%mul3A_76] : memref<3200000xi32, #tpu.memory_space<hbm>> -> memref<2000xi32, #tpu.memory_space<hbm>>
      tpu.wait_dma2 semaphore(%arg16 : memref<!tpu.dma_semaphore, #tpu.memory_space<semaphore_mem>>) src(%dma_wait3A_78 : memref<2000xi32, #tpu.memory_space<hbm>>) dst(%arg12 : memref<2000xi32, #tpu.memory_space<vmem>>)
      %dma_start3A_79 = arith.constant 0 : i32
      %dma_start3A_80 = arith.constant 0 : i32
      %dma_start3A_81 = tpu.memref_slice %arg5[%dma_start3A_79, %dma_start3A_80] : memref<512x16xf32, #tpu.memory_space<hbm>> -> memref<512x16xf32, #tpu.memory_space<hbm>>
      tpu.enqueue_indirect_dma source(%dma_start3A_81 : memref<512x16xf32, #tpu.memory_space<hbm>>) target(%arg14 : memref<2000x16xf32, #tpu.memory_space<vmem>>) offsets(%arg12 : memref<2000xi32, #tpu.memory_space<vmem>>) semaphore(%arg18 : memref<!tpu.dma_semaphore, #tpu.memory_space<semaphore_mem>>)
      %gt3A_82 = arith.constant 0 : i32
      %gt3A_83 = arith.cmpi sgt, %scan3A_61, %gt3A_82 : i32
      %convert_element_type3A_84 = arith.extui %gt3A_83 : i1 to i32
      %cond3A_85 = arith.constant 0 : i32
      %cond3A_86 = arith.cmpi ne, %convert_element_type3A_84, %cond3A_85 : i32
      scf.if %cond3A_86 {
        %sub3A = arith.constant 2 : i32
        %sub3A_130 = arith.subi %add3A_67, %sub3A : i32
        %mul3A_131 = arith.constant 32 : i32
        %mul3A_132 = arith.muli %sub3A_130, %mul3A_131 : i32
        %add3A_133 = arith.addi %add3A, %mul3A_132 : i32
        %mul3A_134 = arith.constant 2000 : i32
        %mul3A_135 = arith.muli %add3A_133, %mul3A_134 : i32
        %dma_wait3A_136 = arith.constant 0 : i32
        %dma_wait3A_137 = tpu.memref_slice %arg7[%mul3A_135, %dma_wait3A_136] : memref<3200000x16xf32, #tpu.memory_space<hbm>> -> memref<2000x16xf32, #tpu.memory_space<hbm>>
        %dma_wait3A_138 = arith.constant 0 : i32
        %dma_wait3A_139 = tpu.memref_slice %arg7[%mul3A_135, %dma_wait3A_138] : memref<3200000x16xf32, #tpu.memory_space<hbm>> -> memref<2000x16xf32, #tpu.memory_space<hbm>>
        tpu.wait_dma2 semaphore(%arg21 : memref<!tpu.dma_semaphore, #tpu.memory_space<semaphore_mem>>) src(%arg15 : memref<2000x16xf32, #tpu.memory_space<vmem>>) dst(%dma_wait3A_139 : memref<2000x16xf32, #tpu.memory_space<hbm>>)
      } else {
      }
      %mul3A_87 = arith.constant 32 : i32
      %mul3A_88 = arith.muli %add3A_67, %mul3A_87 : i32
      %add3A_89 = arith.addi %add3A, %mul3A_88 : i32
      %lt3A_90 = arith.constant 1600 : i32
      %lt3A_91 = arith.cmpi slt, %add3A_89, %lt3A_90 : i32
      %convert_element_type3A_92 = arith.extui %lt3A_91 : i1 to i32
      %cond3A_93 = arith.constant 0 : i32
      %cond3A_94 = arith.cmpi ne, %convert_element_type3A_92, %cond3A_93 : i32
      scf.if %cond3A_94 {
        %mul3A_130 = arith.constant 32 : i32
        %mul3A_131 = arith.muli %add3A_67, %mul3A_130 : i32
        %add3A_132 = arith.addi %add3A, %mul3A_131 : i32
        %mul3A_133 = arith.constant 2000 : i32
        %mul3A_134 = arith.muli %add3A_132, %mul3A_133 : i32
        %dma_wait3A_135 = tpu.memref_slice %arg3[%mul3A_134] : memref<3200000xi32, #tpu.memory_space<hbm>> -> memref<2000xi32, #tpu.memory_space<hbm>>
        %dma_wait3A_136 = tpu.memref_slice %arg3[%mul3A_134] : memref<3200000xi32, #tpu.memory_space<hbm>> -> memref<2000xi32, #tpu.memory_space<hbm>>
        tpu.wait_dma2 semaphore(%arg17 : memref<!tpu.dma_semaphore, #tpu.memory_space<semaphore_mem>>) src(%dma_wait3A_136 : memref<2000xi32, #tpu.memory_space<hbm>>) dst(%arg13 : memref<2000xi32, #tpu.memory_space<vmem>>)
        %dma_start3A_137 = arith.constant 0 : i32
        %dma_start3A_138 = arith.constant 0 : i32
        %dma_start3A_139 = tpu.memref_slice %arg5[%dma_start3A_137, %dma_start3A_138] : memref<512x16xf32, #tpu.memory_space<hbm>> -> memref<512x16xf32, #tpu.memory_space<hbm>>
        tpu.enqueue_indirect_dma source(%dma_start3A_139 : memref<512x16xf32, #tpu.memory_space<hbm>>) target(%arg15 : memref<2000x16xf32, #tpu.memory_space<vmem>>) offsets(%arg13 : memref<2000xi32, #tpu.memory_space<vmem>>) semaphore(%arg19 : memref<!tpu.dma_semaphore, #tpu.memory_space<semaphore_mem>>)
      } else {
      }
      %dma_wait3A_95 = arith.constant 0 : i32
      %dma_wait3A_96 = arith.constant 0 : i32
      %dma_wait3A_97 = tpu.memref_slice %arg5[%dma_wait3A_95, %dma_wait3A_96] : memref<512x16xf32, #tpu.memory_space<hbm>> -> memref<512x16xf32, #tpu.memory_space<hbm>>
      tpu.wait_indirect_dma semaphore(%arg18 : memref<!tpu.dma_semaphore, #tpu.memory_space<semaphore_mem>>) src(%dma_wait3A_97 : memref<512x16xf32, #tpu.memory_space<hbm>>) dst(%arg14 : memref<2000x16xf32, #tpu.memory_space<vmem>>)
      %mul3A_98 = arith.constant 32 : i32
      %mul3A_99 = arith.muli %mul3A_63, %mul3A_98 : i32
      %add3A_100 = arith.addi %add3A, %mul3A_99 : i32
      %mul3A_101 = arith.constant 2000 : i32
      %mul3A_102 = arith.muli %add3A_100, %mul3A_101 : i32
      %dma_start3A_103 = arith.constant 0 : i32
      %dma_start3A_104 = tpu.memref_slice %arg7[%mul3A_102, %dma_start3A_103] : memref<3200000x16xf32, #tpu.memory_space<hbm>> -> memref<2000x16xf32, #tpu.memory_space<hbm>>
      %dma_start3A_105 = arith.constant 0 : i32
      %dma_start3A_106 = tpu.memref_slice %arg7[%mul3A_102, %dma_start3A_105] : memref<3200000x16xf32, #tpu.memory_space<hbm>> -> memref<2000x16xf32, #tpu.memory_space<hbm>>
      tpu.enqueue_dma source(%arg14 : memref<2000x16xf32, #tpu.memory_space<vmem>>) target(%dma_start3A_106 : memref<2000x16xf32, #tpu.memory_space<hbm>>) target_semaphore(%arg20 : memref<!tpu.dma_semaphore, #tpu.memory_space<semaphore_mem>>)
      %lt3A_107 = arith.constant 24 : i32
      %lt3A_108 = arith.cmpi slt, %scan3A_61, %lt3A_107 : i32
      %convert_element_type3A_109 = arith.extui %lt3A_108 : i1 to i32
      %cond3A_110 = arith.constant 0 : i32
      %cond3A_111 = arith.cmpi ne, %convert_element_type3A_109, %cond3A_110 : i32
      scf.if %cond3A_111 {
        %add3A_130 = arith.constant 2 : i32
        %add3A_131 = arith.addi %mul3A_63, %add3A_130 : i32
        %mul3A_132 = arith.constant 32 : i32
        %mul3A_133 = arith.muli %add3A_131, %mul3A_132 : i32
        %add3A_134 = arith.addi %add3A, %mul3A_133 : i32
        %mul3A_135 = arith.constant 2000 : i32
        %mul3A_136 = arith.muli %add3A_134, %mul3A_135 : i32
        %dma_start3A_137 = tpu.memref_slice %arg3[%mul3A_136] : memref<3200000xi32, #tpu.memory_space<hbm>> -> memref<2000xi32, #tpu.memory_space<hbm>>
        %dma_start3A_138 = tpu.memref_slice %arg3[%mul3A_136] : memref<3200000xi32, #tpu.memory_space<hbm>> -> memref<2000xi32, #tpu.memory_space<hbm>>
        tpu.enqueue_dma source(%dma_start3A_138 : memref<2000xi32, #tpu.memory_space<hbm>>) target(%arg12 : memref<2000xi32, #tpu.memory_space<vmem>>) target_semaphore(%arg16 : memref<!tpu.dma_semaphore, #tpu.memory_space<semaphore_mem>>)
      } else {
      }
      %mul3A_112 = arith.constant 32 : i32
      %mul3A_113 = arith.muli %add3A_67, %mul3A_112 : i32
      %add3A_114 = arith.addi %add3A, %mul3A_113 : i32
      %lt3A_115 = arith.constant 1600 : i32
      %lt3A_116 = arith.cmpi slt, %add3A_114, %lt3A_115 : i32
      %convert_element_type3A_117 = arith.extui %lt3A_116 : i1 to i32
      %cond3A_118 = arith.constant 0 : i32
      %cond3A_119 = arith.cmpi ne, %convert_element_type3A_117, %cond3A_118 : i32
      scf.if %cond3A_119 {
        %dma_wait3A_130 = arith.constant 0 : i32
        %dma_wait3A_131 = arith.constant 0 : i32
        %dma_wait3A_132 = tpu.memref_slice %arg5[%dma_wait3A_130, %dma_wait3A_131] : memref<512x16xf32, #tpu.memory_space<hbm>> -> memref<512x16xf32, #tpu.memory_space<hbm>>
        tpu.wait_indirect_dma semaphore(%arg19 : memref<!tpu.dma_semaphore, #tpu.memory_space<semaphore_mem>>) src(%dma_wait3A_132 : memref<512x16xf32, #tpu.memory_space<hbm>>) dst(%arg15 : memref<2000x16xf32, #tpu.memory_space<vmem>>)
        %mul3A_133 = arith.constant 32 : i32
        %mul3A_134 = arith.muli %add3A_67, %mul3A_133 : i32
        %add3A_135 = arith.addi %add3A, %mul3A_134 : i32
        %mul3A_136 = arith.constant 2000 : i32
        %mul3A_137 = arith.muli %add3A_135, %mul3A_136 : i32
        %dma_start3A_138 = arith.constant 0 : i32
        %dma_start3A_139 = tpu.memref_slice %arg7[%mul3A_137, %dma_start3A_138] : memref<3200000x16xf32, #tpu.memory_space<hbm>> -> memref<2000x16xf32, #tpu.memory_space<hbm>>
        %dma_start3A_140 = arith.constant 0 : i32
        %dma_start3A_141 = tpu.memref_slice %arg7[%mul3A_137, %dma_start3A_140] : memref<3200000x16xf32, #tpu.memory_space<hbm>> -> memref<2000x16xf32, #tpu.memory_space<hbm>>
        tpu.enqueue_dma source(%arg15 : memref<2000x16xf32, #tpu.memory_space<vmem>>) target(%dma_start3A_141 : memref<2000x16xf32, #tpu.memory_space<hbm>>) target_semaphore(%arg21 : memref<!tpu.dma_semaphore, #tpu.memory_space<semaphore_mem>>)
      } else {
      }
      %add3A_120 = arith.constant 2 : i32
      %add3A_121 = arith.addi %add3A_67, %add3A_120 : i32
      %mul3A_122 = arith.constant 32 : i32
      %mul3A_123 = arith.muli %add3A_121, %mul3A_122 : i32
      %add3A_124 = arith.addi %add3A, %mul3A_123 : i32
      %lt3A_125 = arith.constant 1600 : i32
      %lt3A_126 = arith.cmpi slt, %add3A_124, %lt3A_125 : i32
      %convert_element_type3A_127 = arith.extui %lt3A_126 : i1 to i32
      %cond3A_128 = arith.constant 0 : i32
      %cond3A_129 = arith.cmpi ne, %convert_element_type3A_127, %cond3A_128 : i32
      scf.if %cond3A_129 {
        %add3A_130 = arith.constant 2 : i32
        %add3A_131 = arith.addi %add3A_67, %add3A_130 : i32
        %mul3A_132 = arith.constant 32 : i32
        %mul3A_133 = arith.muli %add3A_131, %mul3A_132 : i32
        %add3A_134 = arith.addi %add3A, %mul3A_133 : i32
        %mul3A_135 = arith.constant 2000 : i32
        %mul3A_136 = arith.muli %add3A_134, %mul3A_135 : i32
        %dma_start3A_137 = tpu.memref_slice %arg3[%mul3A_136] : memref<3200000xi32, #tpu.memory_space<hbm>> -> memref<2000xi32, #tpu.memory_space<hbm>>
        %dma_start3A_138 = tpu.memref_slice %arg3[%mul3A_136] : memref<3200000xi32, #tpu.memory_space<hbm>> -> memref<2000xi32, #tpu.memory_space<hbm>>
        tpu.enqueue_dma source(%dma_start3A_138 : memref<2000xi32, #tpu.memory_space<hbm>>) target(%arg13 : memref<2000xi32, #tpu.memory_space<vmem>>) target_semaphore(%arg17 : memref<!tpu.dma_semaphore, #tpu.memory_space<semaphore_mem>>)
      } else {
      }
    }
    %scan3A_45 = arith.constant 25 : i32
    %add3A_46 = arith.constant 1536 : i32
    %add3A_47 = arith.addi %add3A, %add3A_46 : i32
    %mul3A_48 = arith.constant 2000 : i32
    %mul3A_49 = arith.muli %add3A_47, %mul3A_48 : i32
    %dma_wait3A_50 = arith.constant 0 : i32
    %dma_wait3A_51 = tpu.memref_slice %arg7[%mul3A_49, %dma_wait3A_50] : memref<3200000x16xf32, #tpu.memory_space<hbm>> -> memref<2000x16xf32, #tpu.memory_space<hbm>>
    %dma_wait3A_52 = arith.constant 0 : i32
    %dma_wait3A_53 = tpu.memref_slice %arg7[%mul3A_49, %dma_wait3A_52] : memref<3200000x16xf32, #tpu.memory_space<hbm>> -> memref<2000x16xf32, #tpu.memory_space<hbm>>
    tpu.wait_dma2 semaphore(%arg20 : memref<!tpu.dma_semaphore, #tpu.memory_space<semaphore_mem>>) src(%arg14 : memref<2000x16xf32, #tpu.memory_space<vmem>>) dst(%dma_wait3A_53 : memref<2000x16xf32, #tpu.memory_space<hbm>>)
    %add3A_54 = arith.constant 1568 : i32
    %add3A_55 = arith.addi %add3A, %add3A_54 : i32
    %lt3A_56 = arith.constant 1600 : i32
    %lt3A_57 = arith.cmpi slt, %add3A_55, %lt3A_56 : i32
    %convert_element_type3A_58 = arith.extui %lt3A_57 : i1 to i32
    %cond3A_59 = arith.constant 0 : i32
    %cond3A_60 = arith.cmpi ne, %convert_element_type3A_58, %cond3A_59 : i32
    scf.if %cond3A_60 {
      %add3A_61 = arith.constant 1568 : i32
      %add3A_62 = arith.addi %add3A, %add3A_61 : i32
      %mul3A_63 = arith.constant 2000 : i32
      %mul3A_64 = arith.muli %add3A_62, %mul3A_63 : i32
      %dma_wait3A_65 = arith.constant 0 : i32
      %dma_wait3A_66 = tpu.memref_slice %arg7[%mul3A_64, %dma_wait3A_65] : memref<3200000x16xf32, #tpu.memory_space<hbm>> -> memref<2000x16xf32, #tpu.memory_space<hbm>>
      %dma_wait3A_67 = arith.constant 0 : i32
      %dma_wait3A_68 = tpu.memref_slice %arg7[%mul3A_64, %dma_wait3A_67] : memref<3200000x16xf32, #tpu.memory_space<hbm>> -> memref<2000x16xf32, #tpu.memory_space<hbm>>
      tpu.wait_dma2 semaphore(%arg21 : memref<!tpu.dma_semaphore, #tpu.memory_space<semaphore_mem>>) src(%arg15 : memref<2000x16xf32, #tpu.memory_space<vmem>>) dst(%dma_wait3A_68 : memref<2000x16xf32, #tpu.memory_space<hbm>>)
    } else {
    }
    return
  }
}

</mosaic_0001>

<sc_bundles>
// kernel: kernel.3.cloned.1.call-start
scs
__scs_entry_jumppad:
0x0: {  	(pc) =	sbr.rel $0x88, $3  }
0x1: {  	(tag) =	ssettag $0x0;
	lr =	simm.s32 $0x1  }
0x2: {  	[smem:$0x3F9D] =	sst lr;
	_ =	strace $0xD0000000  }
0x3: {  	_ = 	snop  }
0x4: {  	_ = 	snop  }
0x5: {  	_ = 	snop  }
0x6: {  	_ = 	snop  }
0x7: {  	_ = 	snop  }
__scs_overlays_trampoline_lowered:
0x8: {  	[smem:$0x3FAC] =	sst s0  }
0x9: {  	[smem:$0x3FAD] =	sst s1  }
0xa: {  	[smem:$0x3FAE] =	sst s2  }
0xb: {  	[smem:$0x3FAF] =	sst s3  }
0xc: {  	[smem:$0x3FB0] =	sst s4  }
0xd: {  	[smem:$0x3FB1] =	sst s5  }
0xe: {  	[smem:$0x3FB2] =	sst s6  }
0xf: {  	[smem:$0x3FB3] =	sst s7  }
0x10: {  	[smem:$0x3FB4] =	sst s8  }
0x11: {  	[smem:$0x3FB5] =	sst s9;
	s0 =	simm.s32 @!p0 $0x0  }
0x12: {  	s1 =	sld [smem:$0x3F9B];
	s0 =	simm.s32 @p0 $0x1  }
0x13: {  	[smem:$0x3FB6] =	sst s0;
	s0 =	simm.s32 @!p1 $0x0  }
0x14: {  	s2 =	sld [smem:$0x3F9A];
	s0 =	simm.s32 @p1 $0x1  }
0x15: {  	[smem:$0x3FB7] =	sst s0;
	s0 =	simm.s32 @!p2 $0x0  }
0x16: {  	s3 =	sld [smem:$0x3FDB];
	s0 =	simm.s32 @p2 $0x1  }
0x17: {  	s4 =	simm.s32 $0x1BF5;
	[smem:$0x3FB9] =	sst s0  }
0x18: {  	s0 =	sld [smem:$0x3F9C];
	_ =	swait.ge [sflag:s4], $0x0  }
0x19: {  	s7 =	sld [smem:$0x3F9D]  }
0x1a: {  	s8 =	sadd.s32 $0xFFFFE003, lr  }
0x1b: {  	s9 =	sadd.s32 $0xFFFFFEF7, lr;
	s5 =	simm.s32 $0xFFFFFFFF;
	p2 =	slt.u32 s8, $0xFFFFF086  }
0x1c: {  	p1 =	slt.u32 s9, $0xF7A;
	s5 =	simm.s32 @!p2 $0x0  }
0x1d: {  	s5 =	simm.s32 @p1 $0x1;
	p0 =	seq.s32 s7, s2  }
0x1e: {  	s7 =	smul.u32 @!p0 $0xF7A, s2;
	p2 =	seq.s32 @!p0 s5, $0x0  }
0x1f: {  	s9 =	smul.u32 $0xF7A, s1;
	s8 =	simm.s32 @!p0 $0x1BF5;
	p2 =	por !p2, p0  }
0x20: {  	[sflag:s8] =	ssyncset.s32 @!p0 $0xFFFFF086;
	s6 =	sadd.s32 @!p0 s3, s7;
	s7 =	simm.s32 @!p0 $0x108  }
0x21: {  	s3 =	sadd.s32 s3, s9;
	s6 =	sadd.s32 @!p0 $0x88, s6;
	s7 =	simm.s32 @p2 $0x1082  }
0x22: {  	[simem:s7], [sflag:s8] =	dma.local @!p0 [hbm:s6], $0xF7A  }
0x23: {  	s9 =	sor.u32 $0xD0000000, s2;
	s6 =	simm.s32 $0x108;
	_ =	swait.ge @!p0 [sflag:s8], $0x0  }
0x24: {  	s3 =	sadd.s32 $0x88, s3;
	s6 =	simm.s32 @!p1 $0x1082;
	[sflag:s4] =	ssyncset.s32 $0xFFFFF086  }
0x25: {  	[simem:s6], [sflag:s4] =	dma.local [hbm:s3], $0xF7A  }
0x26: {  	[smem:$0x3F9D] =	sst s1;
	(tag) =	ssettag s2;
	_ =	strace s9  }
0x27: {  	s1 =	sld [smem:$0x3FAD]  }
0x28: {  	s2 =	sld [smem:$0x3FAE]  }
0x29: {  	s4 =	sld [smem:$0x3FB0]  }
0x2a: {  	p0 =	seq.s32 s5, $0x0;
	s5 =	sld [smem:$0x3FB1]  }
0x2b: {  	s6 =	sld [smem:$0x3FB2]  }
0x2c: {  	s7 =	sld [smem:$0x3FB3]  }
0x2d: {  	s3 =	simm.s32 $0x108;
	s8 =	sld [smem:$0x3FB4]  }
0x2e: {  	s3 =	simm.s32 @!p0 $0x1082;
	s9 =	sld [smem:$0x3FB5]  }
0x2f: {  	lr =	sadd.s32 s0, s3;
	s0 =	sld [smem:$0x3FAC]  }
0x30: {  	s3 =	sld [smem:$0x3FAF]  }
0x31: {  	[smem:$0x3FB8] =	sst s10  }
0x32: {  	s10 =	sld [smem:$0x3FB6];
	_ =	sdelay $0x3  }
0x33: {  	p0 =	seq.s32 s10, $0x1;
	s10 =	sld [smem:$0x3FB8];
	_ =	sdelay $0x3  }
0x34: {  	[smem:$0x3FB8] =	sst s10  }
0x35: {  	s10 =	sld [smem:$0x3FB7];
	_ =	sdelay $0x3  }
0x36: {  	p1 =	seq.s32 s10, $0x1;
	s10 =	sld [smem:$0x3FB8];
	_ =	sdelay $0x3  }
0x37: {  	[smem:$0x3FB8] =	sst s10  }
0x38: {  	s10 =	sld [smem:$0x3FB9]  }
0x39: {  	_ = 	snop;
	(pc) =	sbr.ind lr, $3  }
0x3a: {  	_ = 	snop  }
0x3b: {  	_ = 	snop  }
0x3c: {  	p2 =	seq.s32 s10, $0x1;
	s10 =	sld [smem:$0x3FB8]  }
0x3d: {  	_ =	shalt  }
0x3e: {  	_ =	shalt  }
0x3f: {  	_ =	shalt  }
0x40: {  	_ =	shalt  }
0x41: {  	_ =	shalt  }
0x42: {  	_ =	shalt  }
0x43: {  	_ =	shalt  }
0x44: {  	_ =	shalt  }
0x45: {  	_ =	shalt  }
0x46: {  	_ =	shalt  }
0x47: {  	_ =	shalt  }
0x48: {  	_ =	shalt  }
0x49: {  	_ =	shalt  }
0x4a: {  	_ =	shalt  }
0x4b: {  	_ =	shalt  }
0x4c: {  	_ =	shalt  }
0x4d: {  	_ =	shalt  }
0x4e: {  	_ =	shalt  }
0x4f: {  	_ =	shalt  }
0x50: {  	_ =	shalt  }
0x51: {  	_ =	shalt  }
0x52: {  	_ =	shalt  }
0x53: {  	_ =	shalt  }
0x54: {  	_ =	shalt  }
0x55: {  	_ =	shalt  }
0x56: {  	_ =	shalt  }
0x57: {  	_ =	shalt  }
0x58: {  	_ =	shalt  }
0x59: {  	_ =	shalt  }
0x5a: {  	_ =	shalt  }
0x5b: {  	_ =	shalt  }
0x5c: {  	_ =	shalt  }
0x5d: {  	_ =	shalt  }
0x5e: {  	_ =	shalt  }
0x5f: {  	_ =	shalt  }
0x60: {  	_ =	shalt  }
0x61: {  	_ =	shalt  }
0x62: {  	_ =	shalt  }
0x63: {  	_ =	shalt  }
0x64: {  	_ =	shalt  }
0x65: {  	_ =	shalt  }
0x66: {  	_ =	shalt  }
0x67: {  	_ =	shalt  }
0x68: {  	_ =	shalt  }
0x69: {  	_ =	shalt  }
0x6a: {  	_ =	shalt  }
0x6b: {  	_ =	shalt  }
0x6c: {  	_ =	shalt  }
0x6d: {  	_ =	shalt  }
0x6e: {  	_ =	shalt  }
0x6f: {  	_ =	shalt  }
0x70: {  	_ =	shalt  }
0x71: {  	_ =	shalt  }
0x72: {  	_ =	shalt  }
0x73: {  	_ =	shalt  }
0x74: {  	_ =	shalt  }
0x75: {  	_ =	shalt  }
0x76: {  	_ =	shalt  }
0x77: {  	_ =	shalt  }
0x78: {  	_ =	shalt  }
0x79: {  	_ =	shalt  }
0x7a: {  	_ =	shalt  }
0x7b: {  	_ =	shalt  }
0x7c: {  	_ =	shalt  }
0x7d: {  	_ =	shalt  }
0x7e: {  	_ =	shalt  }
0x7f: {  	_ =	shalt  }
0x80: {  	_ =	shalt  }
0x81: {  	_ =	shalt  }
0x82: {  	_ =	shalt  }
0x83: {  	_ =	shalt  }
0x84: {  	_ =	shalt  }
0x85: {  	_ =	shalt  }
0x86: {  	_ =	shalt  }
0x87: {  	_ =	shalt  }
.Lfunc_end0:
.L_simem_size_0:
called_computation.1_lowered:
.L_overlay_start_0:
0x88: {  	s2 =	sld [smem:$0x3FD9]  }
0x89: {  	s3 =	sld [smem:$0x3FFE];
	_ =	sdelay $0x1  }
0x8a: {  	s1 =	srdreg.scid  }
0x8b: {  	s0 =	sand.u32 $0x1, s1  }
0x8c: {  	s14 =	sshll.u32 s0, $0xA;
	s2 =	sadd.s32 s3, s2  }
0x8d: {  	s2 =	sadd.s32 s2, s14  }
0x8e: {  	[smem:$0x3FC4] =	sst s2  }
0x8f: {  	_ = 	snop  }
0x90: {  	s2 =	sld [smem:$0x3FD0];
	_ =	sdelay $0x1  }
0x91: {  	s15 =	sld [smem:$0x3FC9]  }
0x92: {  	s5 =	simm.s32 $0xA;
	s6 =	simm.s32 $0x10;
	s4 =	sld [smem:$0x3FC8]  }
0x93: {  	[smem:s6], [sflag:s5] =	dma.local [hbm:s2], $0x1  }
0x94: {  	_ =	swait.eq [sflag:s5], $0x1  }
0x95: {  	[sflag:s5] =	ssyncset.done $0x0  }
0x96: {  	s16 =	sld [smem:$0x10];
	[sflag:s5] =	ssyncadd.s32 $0xFFFFFFFF  }
0x97: {  	s17 =	sld [smem:$0x11];
	(tm) =	ssettm $0x1  }
0x98: {  	s18 =	sld [smem:$0x3FFB];
	_ =	sdelay $0x3  }
0x99: {  	_ =	strace s18  }
0x9a: {  	s6 =	sld [smem:$0x3FFC];
	_ =	sdelay $0x3  }
0x9b: {  	_ =	strace s6  }
0x9c: {  	s6 =	sld [smem:$0x3FFD];
	_ =	sdelay $0x3  }
0x9d: {  	_ =	strace s6  }
0x9e: {  	_ =	strace $0x8FFFFFFF  }
0x9f: {  	s19 =	sld [smem:$0x3FDB];
	_ =	sdelay $0x1  }
0xa0: {  	s7 =	simm.s32 $_scs_section_size  }
0xa1: {  	s8 =	simm.s32 $_size__tile_overlayer_lowered;
	s9 =	simm.s32 $_tile_overlayer_lowered  }
0xa2: {  	s22 =	simm.s32 $0x1BFF;
	s21 =	sshll.u32 s9, $0x1;
	s6 =	sadd.s32 s7, s19  }
0xa3: {  	s10 =	simm.s32 $0x0;
	s20 =	sshll.u32 s8, $0x1;
	s8 =	sadd.s32 s21, s6  }
0xa4: {  	[timem:s10], [sflag:s22] =	dma.local [hbm:s8], s20  }
0xa5: {  	_ =	swait.ge [sflag:s22], s20  }
0xa6: {  	s7 =	ssub.s32 $0x0, s20;
	[sflag:s22] =	ssyncset.done $0x0  }
0xa7: {  	[sflag:s22] =	ssyncadd.s32 s7;
	_ =	sdelay $0x1  }
0xa8: {  	s23 =	simm.s32 $0x1B8B  }
0xa9: {  	_ =	swait.ge [sflag:s23], $0x1  }
0xaa: {  	[sflag:s23] =	ssyncset.done $0x0  }
0xab: {  	s25 =	simm.s32 $0x1B8E;
	s24 =	sld [smem:$0x3FFE];
	[sflag:s23] =	ssyncadd.s32 $0xFFFFFFFF  }
0xac: {  	s26 =	simm.s32 $execute0_lowered;
	[smem:$0x3FD2] =	sst s25  }
0xad: {  	s8 =	sshll.u32 s26, $0x1;
	_ =	strace $0x80000046;
	[dreg:$0x1] =	wrdreg $0xFFFFFFFF  }
0xae: {  	s28 =	simm.s32 $_size_execute0_lowered;
	s6 =	sadd.s32 s6, s8;
	[dreg:$0x0] =	wrdreg $0x0  }
0xaf: {  	s8 =	sshll.u32 s28, $0x1;
	[dreg:$0x2] =	wrdreg s6  }
0xb0: {  	[dreg:$0x3] =	wrdreg s8  }
0xb1: {  	[dreg:$0x4] =	wrdreg $0xC0  }
0xb2: {  	_ =	task [dreg:s10], $0x5FFFF  }
0xb3: {  	[dreg:$0x1] =	wrdreg $0xFFFFFFFF  }
0xb4: {  	[dreg:$0x0] =	wrdreg $0x60  }
0xb5: {  	[dreg:$0x2] =	wrdreg s15  }
0xb6: {  	[dreg:$0x3] =	wrdreg s4  }
0xb7: {  	[dreg:$0x4] =	wrdreg s16  }
0xb8: {  	[dreg:$0x5] =	wrdreg s24  }
0xb9: {  	[dreg:$0x6] =	wrdreg s17  }
0xba: {  	[dreg:$0x7] =	wrdreg $0x9  }
0xbb: {  	_ =	task.clear_ibuf [dreg:s10], $0x8FFFF;
	_ =	strace $0x90000046  }
0xbc: {  	s29 =	simm.s32 $0x9;
	_ =	strace $0x80000048  }
0xbd: {  	_ =	swait.ge [sflag:s29], $0x1  }
0xbe: {  	[sflag:s29] =	ssyncadd.s32 $0xFFFFFFFF  }
0xbf: {  	_ =	strace $0x90000048  }
0xc0: {  	_ =	sfence  }
0xc1: {  	s30 =	sld [smem:$0x0];
	_ =	sdelay $0x2  }
0xc2: {  	s31 =	sshll.u32 s1, $0xD;
	s1 =	sshrl.u32 s1, $0x2  }
0xc3: {  	s3 =	sand.u32 $0x4000, s31;
	s1 =	sadd.s32 s1, s30  }
0xc4: {  	s0 =	sor.u32 s3, s0;
	s1 =	sshll.u32 s1, $0x11  }
0xc5: {  	s0 =	sor.u32 s1, s0  }
0xc6: {  	s0 =	sadd.s32 $0x8F2B, s0  }
0xc7: {  	[sflag:s0] =	ssyncadd.remote.s32 $0x1  }
0xc8: {  	_ =	sfence.sel $0xFFFF  }
0xc9: {  	[dreg:$0x0] =	wrdreg $0xFFFFFFFF;
	(pc) =	sbr.abs _section_cstart, $3  }
0xca: {  	[dreg:$0x1] =	wrdreg $0xFFFFFFFF  }
0xcb: {  	_ =	task.clear_ibuf [dreg:s10], $0x2FFFF;
	_ =	strace $0x9FFFFFFF  }
0xcc: {  	(tm) =	ssettm $0x7FFFFFFF  }
0xcd: {  	_ =	shalt  }
tec
execute0_lowered:
.L_overlay_start_1:
0x0: {  	(tag) =	ssettag $0x1  }
0x1: {  	s0 =	srdreg.scid;
	s26 =	stileid.u32  }
0x2: {  	s2 =	sand.u32 $0x1, s0;
	s20 =	sshll.u32 s26, $0x1  }
0x3: {  	s0 =	sor.u32 s2, s20;
	s24 =	smul.u32 $0x640, s2  }
0x4: {  	s3 =	smul.u32 $0x19, s0  }
0x5: {  	s8 =	rddreg [dreg:$0x0];
	s6 =	smul.u32 $0xFA, s0  }
0x6: {  	s12 =	rddreg [dreg:$0x1];
	s9 =	smul.u32 $0x640, s0  }
0x7: {  	s1 =	rddreg [dreg:$0x2];
	s4 =	sor.u32 $0x20, s0;
	s19 =	smul.u32 $0xFA0, s0  }
0x8: {  	s15 =	rddreg [dreg:$0x3];
	s28 =	simm.s32 $0x190;
	s5 =	smul.u32 $0x19, s4  }
0x9: {  	s29 =	simm.s32 $0x2;
	s11 =	sor.u32 $0x40, s0;
	s7 =	smul.u32 $0xFA, s4  }
0xa: {  	s30 =	simm.s32 $0x3390;
	s31 =	simm.s32 $0x3;
	s10 =	smul.u32 $0x19, s11  }
0xb: {  	s16 =	ssub.s32 $0x2, s2;
	s13 =	sor.u32 $0x60, s0;
	s14 =	smul.u32 $0x640, s4  }
0xc: {  	s18 =	sshrl.u32 s16, $0x1;
	s22 =	sor.u32 $0x1E0, s0;
	s17 =	smul.u32 $0x19, s13  }
0xd: {  	p1 =	sgt.u32 s26, $0x9;
	s18 =	ssub.s32 s16, s18;
	s16 =	smul.u32 $0x640, s22  }
0xe: {  	s20 =	sadd.s32 $0x1400, s15;
	s4 =	smul.u32 $0xFA0, s4;
	s3 =	sadd.s32 s8, s3  }
0xf: {  	s11 =	smul.u32 $0xFA, s11;
	s6 =	sadd.s32 s12, s6;
	[dreg:$0x6] =	wrdreg s3  }
0x10: {  	p0 =	sgt.u32 s22, $0x1F3;
	s21 =	sadd.s32 s8, s5;
	[dreg:$0xf] =	wrdreg s6  }
0x11: {  	s3 =	smul.u32 $0xC80, s26;
	s23 =	sadd.s32 s8, s10;
	[dreg:$0x7] =	wrdreg s21  }
0x12: {  	s25 =	sadd.s32 s20, s14;
	s10 =	sadd.s32 s8, s17;
	[dreg:$0x9] =	wrdreg s23  }
0x13: {  	s14 =	smul.u32 $0x32, s26;
	s17 =	sadd.s32 s20, s16;
	[dreg:$0xa] =	wrdreg s25  }
0x14: {  	s7 =	sadd.s32 s12, s7;
	s5 =	simm.s32 $0x6D60;
	[dreg:$0xb] =	wrdreg s10  }
0x15: {  	s6 =	simm.s32 $0x7D0;
	s21 =	sadd.s32 s20, s9;
	[dreg:$0xc] =	wrdreg s17  }
0x16: {  	s23 =	rddreg [dreg:$0x4];
	s10 =	simm.s32 $0x0;
	s17 =	smul.u32 $0xFA0, s2  }
0x17: {  	[dreg:$0x10] =	wrdreg s7;
	s7 =	simm.s32 $0x7530;
	s3 =	sadd.s32 s3, s20  }
0x18: {  	s20 =	smul.u32 $0x19, s2;
	s8 =	sadd.s32 s14, s8;
	s25 =	sadd.s32 s23, s19  }
0x19: {  	s4 =	sadd.s32 s23, s4;
	[smem:$0x7FF] =	sst s10;
	s19 =	smul.u32 $0xFA, s13  }
0x1a: {  	s2 =	smul.u32 $0xFA, s2;
	s14 =	simm.s32 $0x4;
	[dreg:$0xd] =	wrdreg s25  }
0x1b: {  	s9 =	sadd.s32 s24, s3;
	s24 =	smul.u32 $0x1F40, s26;
	[dreg:$0xe] =	wrdreg s4  }
0x1c: {  	s25 =	smax.u32 s18, $0x1;
	s3 =	sadd.s32 s20, s8;
	s20 =	smul.u32 $0x1F4, s26  }
0x1d: {  	s26 =	simm.s32 $0x1;
	s8 =	simm.s32 $0xF230;
	s16 =	sadd.s32 s24, s23  }
0x1e: {  	s23 =	sadd.s32 s12, s11;
	s24 =	sadd.s32 s12, s19;
	s19 =	sadd.s32 $0x1000, s15  }
0x1f: {  	s15 =	sadd.s32 $0xFA0, s3;
	s3 =	simm.s32 $0x6590;
	[dreg:$0x11] =	wrdreg s23  }
.Ltmp0:
0x20: {  	s16 =	sadd.s32 s17, s16;
	[dreg:$0x12] =	wrdreg s24;
	(pc) =	sbr.rel .LBB2_1-.Ltmp0, $4  }
0x21: {  	s4 =	sadd.s32 s20, s12;
	s23 =	sor.u32 $0xA0, s0;
	s0 =	simm.s32 $0x5  }
0x22: {  	_ =	strace $0x80000047;
	[dreg:$0x13] =	wrdreg s25;
	s2 =	sadd.s32 s2, s4  }
0x23: {  	[dreg:$0x8] =	wrdreg s21;
	s21 =	sadd.s32 $0xAF000, s21;
	s25 =	simm.s32 $0xC8  }
0x24: {  	s4 =	simm.s32 $0x0;
	s24 =	sadd.s32 $0x9C40, s2;
	s2 =	simm.s32 $0x6  }
.LBB2_6:
0x25: {  	_ =	swait.ge [sflag:s14], $0x7D00  }
0x26: {  	[sflag:s14] =	ssyncset.done $0x0  }
0x27: {  	[sflag:s14] =	ssyncadd.s32 $0xFFFF8300  }
0x28: {  	[hbm4b:s13+s10] =	stream.linear.scatter [tilespmem:s8], [sflag:$0x6], $0x7D00, $0x38;
	[tilespmem:$0x16F30] =	vst v63  }
0x29: {  	_ =	swait.ge [sflag:s0], $0x7D00  }
0x2a: {  	[sflag:s0] =	ssyncset.done $0x0  }
0x2b: {  	[sflag:s0] =	ssyncadd.s32 $0xFFFF8300  }
0x2c: {  	_ =	swait.ge [sflag:s2], $0x7D00  }
0x2d: {  	s4 =	sadd.s32 $0x1, s4;
	s11 =	rddreg [dreg:$0x13]  }
0x2e: {  	p2 =	sne.s32 s4, s11  }
.Ltmp1:
0x2f: {  	_ = 	snop;
	(pc) =	sbr.rel @!p2 .LBB2_7-.Ltmp1, $3  }
0x30: {  	_ =	sdelay $0x1  }
0x31: {  	[sflag:s2] =	ssyncset.done $0x0  }
0x32: {  	[sflag:s2] =	ssyncadd.s32 $0xFFFF8300  }
.LBB2_1:
0x33: {  	s11 =	rddreg [dreg:$0x6]  }
0x34: {  	[tilespmem:s10], [sflag:$0x1] =	stream.linear.gather [hbm4b:s11+s10], $0xC8, $0x38;
	[tilespmem:$0x16F30] =	vst v63  }
0x35: {  	s22 =	rddreg [dreg:$0x7]  }
0x36: {  	[tilespmem:s25], [sflag:$0x2] =	stream.linear.gather [hbm4b:s22+s10], $0xC8, $0x38;
	[tilespmem:$0x16F30] =	vst v63  }
0x37: {  	_ =	swait.ge [sflag:s26], $0xC8  }
0x38: {  	[sflag:s26] =	ssyncset.done $0x0  }
0x39: {  	[sflag:s26] =	ssyncadd.s32 $0xFFFFFF38  }
0x3a: {  	[tilespmem:s28], [sflag:$0x3] =	stream.indirect.gather [hbm4b:s1+s25], $0x40, s10, s25, $0xb8;
	[tilespmem:$0x16F30] =	vst v63  }
0x3b: {  	_ =	swait.ge [sflag:s29], $0xC8  }
0x3c: {  	[sflag:s29] =	ssyncset.done $0x0  }
0x3d: {  	[sflag:s29] =	ssyncadd.s32 $0xFFFFFF38  }
0x3e: {  	[tilespmem:s30], [sflag:$0x4] =	stream.indirect.gather [hbm4b:s1+s25], $0x40, s25, s25, $0xb8;
	[tilespmem:$0x16F30] =	vst v63  }
0x3f: {  	_ =	swait.ge [sflag:s31], $0x3200  }
0x40: {  	[sflag:s31] =	ssyncset.done $0x0  }
0x41: {  	s12 =	rddreg [dreg:$0x8];
	[sflag:s31] =	ssyncadd.s32 $0xFFFFCE00  }
0x42: {  	[hbm4b:s12+s10] =	stream.linear.scatter [tilespmem:s28], [sflag:$0x5], $0x3200, $0x38;
	[tilespmem:$0x16F30] =	vst v63  }
0x43: {  	s13 =	rddreg [dreg:$0x9]  }
0x44: {  	[tilespmem:s10], [sflag:$0x1] =	stream.linear.gather [hbm4b:s13+s10], $0xC8, $0x38;
	[tilespmem:$0x16F30] =	vst v63  }
0x45: {  	_ =	swait.ge [sflag:s14], $0x3200  }
0x46: {  	[sflag:s14] =	ssyncset.done $0x0  }
0x47: {  	s17 =	rddreg [dreg:$0xa];
	[sflag:s14] =	ssyncadd.s32 $0xFFFFCE00  }
0x48: {  	[hbm4b:s17+s10] =	stream.linear.scatter [tilespmem:s30], [sflag:$0x6], $0x3200, $0x38;
	[tilespmem:$0x16F30] =	vst v63  }
0x49: {  	s18 =	rddreg [dreg:$0xb]  }
0x4a: {  	[tilespmem:s25], [sflag:$0x2] =	stream.linear.gather [hbm4b:s18+s10], $0xC8, $0x38;
	[tilespmem:$0x16F30] =	vst v63  }
0x4b: {  	_ =	swait.ge [sflag:s0], $0x3200  }
0x4c: {  	[sflag:s0] =	ssyncset.done $0x0  }
0x4d: {  	[sflag:s0] =	ssyncadd.s32 $0xFFFFCE00  }
0x4e: {  	_ =	swait.ge [sflag:s26], $0xC8  }
0x4f: {  	[sflag:s26] =	ssyncset.done $0x0  }
0x50: {  	[sflag:s26] =	ssyncadd.s32 $0xFFFFFF38  }
0x51: {  	[tilespmem:s28], [sflag:$0x3] =	stream.indirect.gather [hbm4b:s1+s25], $0x40, s10, s25, $0xb8;
	[tilespmem:$0x16F30] =	vst v63  }
0x52: {  	_ =	swait.ge [sflag:s2], $0x3200  }
0x53: {  	[sflag:s2] =	ssyncset.done $0x0  }
0x54: {  	[sflag:s2] =	ssyncadd.s32 $0xFFFFCE00  }
0x55: {  	_ =	swait.ge [sflag:s29], $0xC8  }
0x56: {  	[sflag:s29] =	ssyncset.done $0x0  }
0x57: {  	[sflag:s29] =	ssyncadd.s32 $0xFFFFFF38  }
0x58: {  	[tilespmem:s30], [sflag:$0x4] =	stream.indirect.gather [hbm4b:s1+s25], $0x40, s25, s25, $0xb8;
	[tilespmem:$0x16F30] =	vst v63  }
0x59: {  	_ =	swait.ge [sflag:s31], $0x3200  }
0x5a: {  	s20 =	sadd.s32 $0x0, s9;
	[sflag:s31] =	ssyncset.done $0x0  }
0x5b: {  	s12 =	sadd.s32 $0x19000, s20;
	[sflag:s31] =	ssyncadd.s32 $0xFFFFCE00  }
0x5c: {  	[hbm4b:s12+s10] =	stream.linear.scatter [tilespmem:s28], [sflag:$0x5], $0x3200, $0x38;
	[tilespmem:$0x16F30] =	vst v63  }
0x5d: {  	s22 =	sadd.s32 $0xFFFFFCE0, s15  }
0x5e: {  	[tilespmem:s10], [sflag:$0x1] =	stream.linear.gather [hbm4b:s22+s10], $0xC8, $0x38;
	[tilespmem:$0x16F30] =	vst v63  }
0x5f: {  	p3 =	sgt.u32 s23, $0x1F3;
	_ =	swait.ge [sflag:s14], $0x3200  }
0x60: {  	s11 =	sadd.s32 $0x25800, s20;
	s13 =	sadd.s32 $0x640, s15;
	[sflag:s14] =	ssyncset.done $0x0  }
0x61: {  	s17 =	simm.s32 @!p3 $0x0;
	s18 =	simm.s32 @!p3 $0xC8;
	[sflag:s14] =	ssyncadd.s32 $0xFFFFCE00  }
0x62: {  	[hbm4b:s11+s10] =	stream.linear.scatter [tilespmem:s30], [sflag:$0x6], $0x3200, $0x38;
	[tilespmem:$0x16F30] =	vst v63  }
0x63: {  	s12 =	sadd.s32 $0x40, s23;
	s22 =	smov.u32 s15;
	s11 =	simm.s32 $0x19000  }
.LBB2_2:
0x64: {  	[tilespmem:s18], [sflag:$0x2] =	stream.linear.gather @!p3 [hbm4b:s22+s17], $0xC8, $0x38;
	[tilespmem:$0x16F30] =	vst v63  }
0x65: {  	s17 =	smov.u32 s11;
	s11 =	sadd.s32 $0x19000, s11;
	_ =	swait.ge [sflag:s0], $0x3200  }
0x66: {  	s18 =	smov.u32 s12;
	p2 =	sne.s32 s11, $0x96000;
	[sflag:s0] =	ssyncset.done $0x0  }
0x67: {  	s22 =	smov.u32 s13;
	[sflag:s0] =	ssyncadd.s32 $0xFFFFCE00  }
0x68: {  	_ =	swait.ge [sflag:s26], $0xC8  }
0x69: {  	[sflag:s26] =	ssyncset.done $0x0  }
0x6a: {  	[sflag:s26] =	ssyncadd.s32 $0xFFFFFF38  }
0x6b: {  	[tilespmem:s28], [sflag:$0x3] =	stream.indirect.gather [hbm4b:s1+s25], $0x40, s10, s25, $0xb8;
	[tilespmem:$0x16F30] =	vst v63  }
0x6c: {  	_ =	swait.ge [sflag:s2], $0x3200  }
0x6d: {  	[sflag:s2] =	ssyncset.done $0x0  }
0x6e: {  	[sflag:s2] =	ssyncadd.s32 $0xFFFFCE00  }
0x6f: {  	_ =	swait.ge [sflag:s29], $0xC8  }
0x70: {  	[sflag:s29] =	ssyncset.done $0x0  }
0x71: {  	[sflag:s29] =	ssyncadd.s32 $0xFFFFFF38  }
0x72: {  	[tilespmem:s30], [sflag:$0x4] =	stream.indirect.gather [hbm4b:s1+s25], $0x40, s25, s25, $0xb8;
	[tilespmem:$0x16F30] =	vst v63  }
0x73: {  	_ =	swait.ge [sflag:s31], $0x3200  }
0x74: {  	s17 =	sadd.s32 s17, s9;
	[sflag:s31] =	ssyncset.done $0x0  }
0x75: {  	s20 =	sadd.s32 $0x19000, s17;
	[sflag:s31] =	ssyncadd.s32 $0xFFFFCE00  }
0x76: {  	[hbm4b:s20+s10] =	stream.linear.scatter [tilespmem:s28], [sflag:$0x5], $0x3200, $0x38;
	[tilespmem:$0x16F30] =	vst v63  }
0x77: {  	s20 =	sadd.s32 $0xFFFFFCE0, s13  }
0x78: {  	[tilespmem:s10], [sflag:$0x1] =	stream.linear.gather [hbm4b:s20+s10], $0xC8, $0x38;
	[tilespmem:$0x16F30] =	vst v63  }
.Ltmp2:
0x79: {  	_ =	swait.ge [sflag:s14], $0x3200;
	(pc) =	sbr.rel @p2 .LBB2_2-.Ltmp2, $4  }
0x7a: {  	s12 =	sadd.s32 $0x40, s12;
	[sflag:s14] =	ssyncset.done $0x0  }
0x7b: {  	p3 =	sgt.u32 s18, $0x1F3;
	s17 =	sadd.s32 $0x25800, s17;
	[sflag:s14] =	ssyncadd.s32 $0xFFFFCE00  }
0x7c: {  	[hbm4b:s17+s10] =	stream.linear.scatter [tilespmem:s30], [sflag:$0x6], $0x3200, $0x38;
	[tilespmem:$0x16F30] =	vst v63  }
0x7d: {  	s18 =	simm.s32 @!p3 $0xC8;
	s13 =	sadd.s32 $0x640, s13;
	s17 =	simm.s32 @!p3 $0x0  }
0x7e: {  	[tilespmem:s18], [sflag:$0x2] =	stream.linear.gather @!p3 [hbm4b:s22+s17], $0xC8, $0x38;
	[tilespmem:$0x16F30] =	vst v63  }
0x7f: {  	_ =	swait.ge [sflag:s0], $0x3200  }
0x80: {  	[sflag:s0] =	ssyncset.done $0x0  }
0x81: {  	[sflag:s0] =	ssyncadd.s32 $0xFFFFCE00  }
0x82: {  	_ =	swait.ge [sflag:s26], $0xC8  }
0x83: {  	[sflag:s26] =	ssyncset.done $0x0  }
0x84: {  	[sflag:s26] =	ssyncadd.s32 $0xFFFFFF38  }
0x85: {  	[tilespmem:s28], [sflag:$0x3] =	stream.indirect.gather [hbm4b:s1+s25], $0x40, s10, s25, $0xb8;
	[tilespmem:$0x16F30] =	vst v63  }
0x86: {  	_ =	swait.ge [sflag:s2], $0x3200  }
0x87: {  	[sflag:s2] =	ssyncset.done $0x0  }
0x88: {  	s11 =	simm.s32 @p0 $0x3;
	[sflag:s2] =	ssyncadd.s32 $0xFFFFCE00  }
0x89: {  	_ =	swait.ge @p0 [sflag:s11], $0x3200  }
0x8a: {  	[sflag:s11] =	ssyncset.done @p0 $0x0  }
0x8b: {  	s12 =	simm.s32 @p0 $0x190;
	[sflag:s11] =	ssyncadd.s32 @p0 $0xFFFFCE00;
	s11 =	simm.s32 @p0 $0x0  }
0x8c: {  	[hbm4b:s21+s11] =	stream.linear.scatter @p0 [tilespmem:s12], [sflag:$0x5], $0x3200, $0x38;
	[tilespmem:$0x16F30] =	vst v63  }
0x8d: {  	s11 =	simm.s32 @!p0 $0x2  }
0x8e: {  	_ =	swait.ge @!p0 [sflag:s11], $0xC8  }
0x8f: {  	[sflag:s11] =	ssyncset.done @!p0 $0x0  }
0x90: {  	s12 =	simm.s32 @!p0 $0x3390;
	[sflag:s11] =	ssyncadd.s32 @!p0 $0xFFFFFF38;
	s11 =	simm.s32 @!p0 $0xC8  }
0x91: {  	[tilespmem:s12], [sflag:$0x4] =	stream.indirect.gather @!p0 [hbm4b:s1+s11], $0x40, s11, s11, $0xb8;
	[tilespmem:$0x16F30] =	vst v63  }
0x92: {  	s11 =	simm.s32 @!p0 $0x3  }
0x93: {  	_ =	swait.ge @!p0 [sflag:s11], $0x3200  }
0x94: {  	[sflag:s11] =	ssyncset.done @!p0 $0x0  }
0x95: {  	s13 =	simm.s32 @!p0 $0x190;
	[sflag:s11] =	ssyncadd.s32 @!p0 $0xFFFFCE00;
	s11 =	simm.s32 @!p0 $0x0  }
0x96: {  	[hbm4b:s21+s11] =	stream.linear.scatter @!p0 [tilespmem:s13], [sflag:$0x5], $0x3200, $0x38;
	[tilespmem:$0x16F30] =	vst v63  }
0x97: {  	s13 =	simm.s32 @!p0 $0x4  }
0x98: {  	_ =	swait.ge @!p0 [sflag:s13], $0x3200  }
0x99: {  	[sflag:s13] =	ssyncset.done @!p0 $0x0  }
0x9a: {  	[sflag:s13] =	ssyncadd.s32 @!p0 $0xFFFFCE00;
	s13 =	rddreg [dreg:$0xc]  }
0x9b: {  	[hbm4b:s13+s11] =	stream.linear.scatter @!p0 [tilespmem:s12], [sflag:$0x6], $0x3200, $0x38;
	[tilespmem:$0x16F30] =	vst v63  }
0x9c: {  	_ =	swait.ge [sflag:s0], $0x3200  }
0x9d: {  	[sflag:s0] =	ssyncset.done $0x0  }
0x9e: {  	s11 =	simm.s32 @!p1 $0x6;
	[sflag:s0] =	ssyncadd.s32 $0xFFFFCE00  }
0x9f: {  	_ =	swait.ge @!p1 [sflag:s11], $0x3200  }
0xa0: {  	[sflag:s11] =	ssyncset.done @!p1 $0x0  }
0xa1: {  	s22 =	rddreg [dreg:$0xf];
	[sflag:s11] =	ssyncadd.s32 @!p1 $0xFFFFCE00;
	s11 =	simm.s32 $0x0  }
0xa2: {  	[tilespmem:s3], [sflag:$0x1] =	stream.linear.gather [hbm4b:s22+s11], $0x7D0, $0x38;
	[tilespmem:$0x16F30] =	vst v63  }
0xa3: {  	s13 =	rddreg [dreg:$0x10]  }
0xa4: {  	[tilespmem:s5], [sflag:$0x2] =	stream.linear.gather [hbm4b:s13+s11], $0x7D0, $0x38;
	[tilespmem:$0x16F30] =	vst v63  }
0xa5: {  	_ =	swait.ge [sflag:s26], $0x7D0  }
0xa6: {  	[sflag:s26] =	ssyncset.done $0x0  }
0xa7: {  	[sflag:s26] =	ssyncadd.s32 $0xFFFFF830  }
0xa8: {  	[tilespmem:s7], [sflag:$0x3] =	stream.indirect.gather [hbm4b:s19+s6], $0x10, s3, s6, $0xb8;
	[tilespmem:$0x16F30] =	vst v63  }
0xa9: {  	_ =	swait.ge [sflag:s29], $0x7D0  }
0xaa: {  	[sflag:s29] =	ssyncset.done $0x0  }
0xab: {  	[sflag:s29] =	ssyncadd.s32 $0xFFFFF830  }
0xac: {  	[tilespmem:s8], [sflag:$0x4] =	stream.indirect.gather [hbm4b:s19+s6], $0x10, s5, s6, $0xb8;
	[tilespmem:$0x16F30] =	vst v63  }
0xad: {  	_ =	swait.ge [sflag:s31], $0x7D00  }
0xae: {  	[sflag:s31] =	ssyncset.done $0x0  }
0xaf: {  	s17 =	rddreg [dreg:$0xd];
	[sflag:s31] =	ssyncadd.s32 $0xFFFF8300  }
0xb0: {  	[hbm4b:s17+s11] =	stream.linear.scatter [tilespmem:s7], [sflag:$0x5], $0x7D00, $0x38;
	[tilespmem:$0x16F30] =	vst v63  }
0xb1: {  	s18 =	rddreg [dreg:$0x11]  }
0xb2: {  	[tilespmem:s3], [sflag:$0x1] =	stream.linear.gather [hbm4b:s18+s11], $0x7D0, $0x38;
	[tilespmem:$0x16F30] =	vst v63  }
0xb3: {  	_ =	swait.ge [sflag:s14], $0x7D00  }
0xb4: {  	[sflag:s14] =	ssyncset.done $0x0  }
0xb5: {  	s20 =	rddreg [dreg:$0xe];
	[sflag:s14] =	ssyncadd.s32 $0xFFFF8300  }
0xb6: {  	[hbm4b:s20+s11] =	stream.linear.scatter [tilespmem:s8], [sflag:$0x6], $0x7D00, $0x38;
	[tilespmem:$0x16F30] =	vst v63  }
0xb7: {  	s12 =	smov.u32 s24;
	s22 =	rddreg [dreg:$0x12]  }
0xb8: {  	[tilespmem:s5], [sflag:$0x2] =	stream.linear.gather [hbm4b:s22+s11], $0x7D0, $0x38;
	[tilespmem:$0x16F30] =	vst v63  }
.LBB2_4:
0xb9: {  	_ =	swait.ge [sflag:s0], $0x7D00  }
0xba: {  	[sflag:s0] =	ssyncset.done $0x0  }
0xbb: {  	[sflag:s0] =	ssyncadd.s32 $0xFFFF8300  }
0xbc: {  	_ =	swait.ge [sflag:s26], $0x7D0  }
0xbd: {  	[sflag:s26] =	ssyncset.done $0x0  }
0xbe: {  	[sflag:s26] =	ssyncadd.s32 $0xFFFFF830  }
0xbf: {  	[tilespmem:s7], [sflag:$0x3] =	stream.indirect.gather [hbm4b:s19+s6], $0x10, s3, s6, $0xb8;
	[tilespmem:$0x16F30] =	vst v63  }
0xc0: {  	_ =	swait.ge [sflag:s2], $0x7D00  }
0xc1: {  	[sflag:s2] =	ssyncset.done $0x0  }
0xc2: {  	[sflag:s2] =	ssyncadd.s32 $0xFFFF8300  }
0xc3: {  	_ =	swait.ge [sflag:s29], $0x7D0  }
0xc4: {  	[sflag:s29] =	ssyncset.done $0x0  }
0xc5: {  	p2 =	seq.s32 s11, $0x59D800;
	[sflag:s29] =	ssyncadd.s32 $0xFFFFF830  }
0xc6: {  	[tilespmem:s8], [sflag:$0x4] =	stream.indirect.gather [hbm4b:s19+s6], $0x10, s5, s6, $0xb8;
	[tilespmem:$0x16F30] =	vst v63  }
.Ltmp3:
0xc7: {  	_ = 	snop;
	(pc) =	sbr.rel @p2 .LBB2_6-.Ltmp3, $4  }
0xc8: {  	_ =	swait.ge [sflag:s31], $0x7D00  }
0xc9: {  	s13 =	sadd.s32 s11, s16;
	[sflag:s31] =	ssyncset.done $0x0  }
0xca: {  	s17 =	sadd.s32 $0x3E800, s13;
	s13 =	sadd.s32 $0x5DC00, s13;
	[sflag:s31] =	ssyncadd.s32 $0xFFFF8300  }
0xcb: {  	[hbm4b:s17+s10] =	stream.linear.scatter [tilespmem:s7], [sflag:$0x5], $0x7D00, $0x38;
	[tilespmem:$0x16F30] =	vst v63  }
0xcc: {  	s17 =	sadd.s32 $0xFFFFE0C0, s12  }
0xcd: {  	[tilespmem:s3], [sflag:$0x1] =	stream.linear.gather [hbm4b:s17+s10], $0x7D0, $0x38;
	[tilespmem:$0x16F30] =	vst v63  }
0xce: {  	_ =	swait.ge [sflag:s14], $0x7D00  }
0xcf: {  	[sflag:s14] =	ssyncset.done $0x0  }
.Ltmp4:
0xd0: {  	[sflag:s14] =	ssyncadd.s32 $0xFFFF8300;
	(pc) =	sbr.rel .LBB2_4-.Ltmp4, $4  }
0xd1: {  	[hbm4b:s13+s10] =	stream.linear.scatter [tilespmem:s8], [sflag:$0x6], $0x7D00, $0x38;
	[tilespmem:$0x16F30] =	vst v63  }
0xd2: {  	_ = 	snop  }
0xd3: {  	[tilespmem:s5], [sflag:$0x2] =	stream.linear.gather [hbm4b:s12+s10], $0x7D0, $0x38;
	[tilespmem:$0x16F30] =	vst v63  }
0xd4: {  	s11 =	sadd.s32 $0x3E800, s11;
	s12 =	sadd.s32 $0x3E80, s12  }
.LBB2_7:
0xd5: {  	_ =	sfence.sel $0x180000  }
0xd6: {  	[bflag:$0x0] =	sbarrier.arrive $0xFFFF  }
0xd7: {  	_ =	strace $0x90000047  }
0xd8: {  	s0 =	stileid.u32;
	[bflag:$0x2] =	sbarrier.arrive $0xFFFF  }
0xd9: {  	p0 =	sne.s32 s0, $0x0;
	s0 =	rddreg [dreg:$0x5]  }
0xda: {  	s0 =	sadd.s32 @!p0 $0x100000, s0  }
0xdb: {  	[sflag:s0] =	ssyncadd.tile.s32 @!p0 $0x1;
	_ =	shalt  }
.Lfunc_end2:
_tile_overlayer_lowered:
.L_overlay_start_2:
0xdc: {  	(tag) =	ssettag $0x2  }
0xdd: {  	s0 =	rddreg [dreg:$0x0];
	s2 =	stileid.u32  }
0xde: {  	s1 =	rddreg [dreg:$0x1];
	p0 =	sne.s32 s2, $0x0  }
0xdf: {  	s3 =	rddreg [dreg:$0x2];
	[bflag:$0x3] =	sbarrier.arrive $0xFFFF;
	s2 =	simm.s32 @!p0 $0x1C07  }
0xe0: {  	[timem:s3], [sflag:s2] =	dma.local @!p0 [hbm:s0], s1  }
0xe1: {  	s0 =	simm.s32 @!p0 $0x7  }
0xe2: {  	_ =	swait.ge @!p0 [sflag:s0], s1  }
0xe3: {  	s1 =	ssub.s32 @!p0 $0x0, s1;
	[sflag:s0] =	ssyncset.done @!p0 $0x0  }
0xe4: {  	[sflag:s0] =	ssyncadd.s32 @!p0 s1  }
0xe5: {  	[bflag:$0x3] =	sbarrier.arrive $0xFFFF  }
0xe6: {  	_ =	shalt  }

// kernel: sparse-core-data-format-call.cloned.1.call-start
scs
called_computation_lowered:
.L_overlay_start_0:
0x0: {  	s2 =	sld [smem:$0x3FD9]  }
0x1: {  	s3 =	sld [smem:$0x3FFE];
	_ =	sdelay $0x1  }
0x2: {  	s1 =	srdreg.scid  }
0x3: {  	s0 =	sand.u32 $0x1, s1  }
0x4: {  	s15 =	sshll.u32 s0, $0xA;
	s2 =	sadd.s32 s3, s2  }
0x5: {  	s2 =	sadd.s32 s2, s15  }
0x6: {  	[smem:$0x3FC4] =	sst s2  }
0x7: {  	_ = 	snop  }
0x8: {  	s2 =	sld [smem:$0x3FD0];
	_ =	sdelay $0x2  }
0x9: {  	s16 =	simm.s32 $0xA;
	s4 =	simm.s32 $0x10  }
0xa: {  	[smem:s4], [sflag:s16] =	dma.local [hbm:s2], $0x1  }
0xb: {  	_ =	swait.eq [sflag:s16], $0x1  }
0xc: {  	[sflag:s16] =	ssyncset.done $0x0  }
0xd: {  	[sflag:s16] =	ssyncadd.s32 $0xFFFFFFFF  }
0xe: {  	s17 =	sld [smem:$0x11];
	(tm) =	ssettm $0x1  }
0xf: {  	s18 =	sld [smem:$0x3FFB];
	_ =	sdelay $0x3  }
0x10: {  	_ =	strace s18  }
0x11: {  	s3 =	sld [smem:$0x3FFC];
	_ =	sdelay $0x3  }
0x12: {  	_ =	strace s3  }
0x13: {  	s3 =	sld [smem:$0x3FFD];
	_ =	sdelay $0x3  }
0x14: {  	_ =	strace s3  }
0x15: {  	_ =	strace $0x8FFFFFFF  }
0x16: {  	s19 =	sld [smem:$0x3FDB];
	_ =	sdelay $0x1  }
0x17: {  	s20 =	simm.s32 $_scs_section_size  }
0x18: {  	s5 =	simm.s32 $_size__tile_overlayer_lowered;
	s6 =	simm.s32 $_tile_overlayer_lowered  }
0x19: {  	s23 =	simm.s32 $0x1BFF;
	s22 =	sshll.u32 s6, $0x1;
	s3 =	sadd.s32 s20, s19  }
0x1a: {  	s7 =	simm.s32 $0x0;
	s21 =	sshll.u32 s5, $0x1;
	s5 =	sadd.s32 s22, s3  }
0x1b: {  	[timem:s7], [sflag:s23] =	dma.local [hbm:s5], s21  }
0x1c: {  	_ =	swait.ge [sflag:s23], s21  }
0x1d: {  	s4 =	ssub.s32 $0x0, s21;
	[sflag:s23] =	ssyncset.done $0x0  }
0x1e: {  	[sflag:s23] =	ssyncadd.s32 s4;
	_ =	sdelay $0x1  }
0x1f: {  	s24 =	simm.s32 $0x1B8B  }
0x20: {  	_ =	swait.ge [sflag:s24], $0x1  }
0x21: {  	[sflag:s24] =	ssyncset.done $0x0  }
0x22: {  	s26 =	simm.s32 $0x1B8E;
	s25 =	sld [smem:$0x3FFE];
	[sflag:s24] =	ssyncadd.s32 $0xFFFFFFFF  }
0x23: {  	s27 =	simm.s32 $execute0_lowered;
	[smem:$0x3FD2] =	sst s26  }
0x24: {  	s5 =	sshll.u32 s27, $0x1;
	_ =	strace $0x80000049;
	[dreg:$0x1] =	wrdreg $0xFFFFFFFF  }
0x25: {  	s28 =	simm.s32 $_size_execute0_lowered;
	s3 =	sadd.s32 s3, s5;
	[dreg:$0x0] =	wrdreg $0x0  }
0x26: {  	s5 =	sshll.u32 s28, $0x1;
	[dreg:$0x2] =	wrdreg s3  }
0x27: {  	[dreg:$0x3] =	wrdreg s5  }
0x28: {  	[dreg:$0x4] =	wrdreg $0xC0  }
0x29: {  	_ =	task [dreg:s7], $0x5FFFF  }
0x2a: {  	[dreg:$0x1] =	wrdreg $0xFFFFFFFF  }
0x2b: {  	[dreg:$0x0] =	wrdreg $0x60  }
0x2c: {  	[dreg:$0x2] =	wrdreg s25  }
0x2d: {  	[dreg:$0x3] =	wrdreg s17  }
0x2e: {  	[dreg:$0x4] =	wrdreg $0x9  }
0x2f: {  	_ =	task.clear_ibuf [dreg:s7], $0x5FFFF;
	_ =	strace $0x90000049  }
0x30: {  	s29 =	simm.s32 $0x9;
	_ =	strace $0x8000004B  }
0x31: {  	_ =	swait.ge [sflag:s29], $0x1  }
0x32: {  	[sflag:s29] =	ssyncadd.s32 $0xFFFFFFFF  }
0x33: {  	_ =	strace $0x9000004B  }
0x34: {  	_ =	sfence  }
0x35: {  	s30 =	sld [smem:$0x0];
	_ =	sdelay $0x2  }
0x36: {  	s31 =	sshll.u32 s1, $0xD;
	s1 =	sshrl.u32 s1, $0x2  }
0x37: {  	s3 =	sand.u32 $0x4000, s31;
	s1 =	sadd.s32 s1, s30  }
0x38: {  	s0 =	sor.u32 s3, s0;
	s1 =	sshll.u32 s1, $0x11  }
0x39: {  	s0 =	sor.u32 s1, s0  }
0x3a: {  	s0 =	sadd.s32 $0x8F2B, s0  }
0x3b: {  	[sflag:s0] =	ssyncadd.remote.s32 $0x1  }
0x3c: {  	_ =	sfence.sel $0xFFFF  }
0x3d: {  	[dreg:$0x0] =	wrdreg $0xFFFFFFFF;
	(pc) =	sbr.abs _section_cstart, $3  }
0x3e: {  	[dreg:$0x1] =	wrdreg $0xFFFFFFFF  }
0x3f: {  	_ =	task.clear_ibuf [dreg:s7], $0x2FFFF;
	_ =	strace $0x9FFFFFFF  }
0x40: {  	(tm) =	ssettm $0x7FFFFFFF  }
0x41: {  	_ =	shalt  }
tec
execute0_lowered:
.L_overlay_start_1:
0x0: {  	(tag) =	ssettag $0x1  }
0x1: {  	s0 =	srdreg.scid  }
0x2: {  	s1 =	sshll.u32 s0, $0x4  }
0x3: {  	s4 =	rddreg [dreg:$0x0];
	s0 =	stileid.u32;
	s1 =	sand.u32 $0x10, s1  }
0x4: {  	s2 =	rddreg [dreg:$0x1];
	s7 =	simm.s32 $0x1;
	s1 =	sor.u32 s0, s1  }
0x5: {  	s8 =	simm.s32 $0x2;
	s11 =	simm.s32 $0x0;
	s3 =	sshll.u32 s1, $0x7  }
0x6: {  	s10 =	simm.s32 $0x0;
	s4 =	sadd.s32 $0xC4A00, s4;
	s6 =	ssub.s32 $0x30D400, s3  }
.Ltmp0:
0x7: {  	s1 =	rddreg [dreg:$0x2];
	s5 =	sand.u32 $0xF80, s6;
	(pc) =	sbr.rel .LBB1_1-.Ltmp0, $4  }
0x8: {  	_ =	strace $0x8000004A;
	s9 =	smov.u32 s3;
	p0 =	sne.s32 s5, $0x0  }
0x9: {  	s6 =	sshrl.u32 s6, $0xC;
	s5 =	simm.s32 $0x1;
	s7 =	simm.s32 @!p0 $0x0  }
0xa: {  	[sflag:s5] =	ssyncpa.u1 $0x0;
	p0 =	por $0x0, $0x0;
	s6 =	sadd.s32 s7, s6  }
0xb: {  	[sflag:s8] =	ssyncpa.u1 $0x0;
	s8 =	simm.s32 $0x186A000;
	s7 =	sadd.s32 $0x1, s6  }
.LBB1_4:
0xc: {  	s14 =	sshll.u32 s11, $0x3  }
0xd: {  	s15 =	sshrl.u32 s14, $0xA  }
0xe: {  	s15 =	smulhi.u32 $0x53E2D7, s15;
	_ =	sdelay $0x1  }
0xf: {  	s15 =	sshrl.u32 s15, $0x2  }
0x10: {  	s28 =	sand.u32 $0x7F, s11;
	s14 =	sand.u32 $0xFFFFFC00, s14;
	s16 =	smul.u32 $0x30D400, s15  }
0x11: {  	[tilespmem:s12+$0xFFFFFFFC ss:$0x81] =	vst.msk $0xffff, v1;
	s11 =	sor.u32 s28, s14;
	s29 =	sand.u32 $0xF, s15  }
0x12: {  	[tilespmem:s12+$0xFFFFFFFD ss:$0x81] =	vst.msk $0xffff, v2;
	s14 =	smul.u32 $0x61A80, s29;
	s11 =	ssub.s32 s11, s16  }
0x13: {  	[tilespmem:s12+$0xFFFFFFFE ss:$0x81] =	vst.msk $0xffff, v0;
	s30 =	sand.u32 $0x7, s11  }
0x14: {  	[tilespmem:s12+$0xFFFFFFFF ss:$0x81] =	vst.msk $0xffff, v4;
	s11 =	sshrl.u32 s11, $0x3;
	s14 =	sadd.s32 s2, s14;
	s15 =	sshll.u32 s30, $0x12  }
0x15: {  	[tilespmem:s12+$0xFFFFFFF9 ss:$0x81] =	vst.msk $0xffff, v3;
	s11 =	sadd.s32 s11, s14;
	s31 =	sor.u32 $0x400, s15  }
0x16: {  	[hbm4b:s11+s31] =	stream.strided.scatter [tilespmem:s13], [sflag:$0x2], $0x800, s8, s31, $0x20;
	[tilespmem:$0x2020] =	vst v63  }
.LBB1_5:
0x17: {  	s13 =	sadd.s32 $0x1000, s9  }
0x18: {  	p2 =	sgt.s32 s13, $0x30D3FF  }
0x19: {  	s13 =	smov.u32 @p2 s3;
	p2 =	sne.s32 s10, s7  }
.Ltmp1:
0x1a: {  	p1 =	slt.u32 s10, $0x2;
	(pc) =	sbr.rel @!p2 .LBB1_6-.Ltmp1, $4  }
0x1b: {  	s12 =	simm.s32 @!p1 $0x2  }
0x1c: {  	s14 =	sadd.s32 $0x1, s10;
	_ =	swait.ge @!p1 [sflag:s12], $0x800  }
0x1d: {  	s11 =	smov.u32 s9;
	p0 =	por !p0, !p0;
	[sflag:s12] =	ssyncset.done @!p1 $0x0  }
0x1e: {  	s10 =	smov.u32 s14;
	s9 =	smov.u32 s13;
	[sflag:s12] =	ssyncadd.s32 @!p1 $0xFFFFF800  }
.LBB1_1:
0x1f: {  	p1 =	sge.u32 s10, s6  }
0x20: {  	s12 =	sand.u32 @!p1 $0x1FFFFFF, s9  }
0x21: {  	s13 =	smulhi.u32 @!p1 $0x14F8B59, s12;
	_ =	sdelay $0x1  }
0x22: {  	s13 =	sshrl.u32 @!p1 s13, $0xE  }
0x23: {  	s13 =	smul.u32 @!p1 $0x30D400, s13;
	_ =	sdelay $0x1  }
0x24: {  	s31 =	sadd.s32 $0xFFFFFFFF, s10;
	s14 =	sxor.u32 @!p1 $0xFFFFFFFF, s10;
	s12 =	ssub.s32 @!p1 s12, s13  }
0x25: {  	s15 =	simm.s32 @!p1 $0x80;
	s14 =	sshll.u32 @!p1 s14, $0xB;
	s12 =	sshll.u32 @!p1 s12, $0x4  }
0x26: {  	s13 =	sand.u32 @!p1 $0x800, s14;
	s14 =	simm.s32 @!p1 $0x10;
	s12 =	sadd.s32 @!p1 s4, s12  }
0x27: {  	[tilespmem:s13], [sflag:$0x1] =	stream.strided.gather @!p1 [hbm4b:s12+s14], $0x800, s15, s14, $0x38;
	[tilespmem:$0x2020] =	vst v63  }
0x28: {  	p1 =	sge.u32 s31, s6  }
.Ltmp2:
0x29: {  	_ = 	snop;
	(pc) =	sbr.rel @p1 .LBB1_5-.Ltmp2, $1  }
0x2a: {  	_ =	sdelay $0x3  }
0x2b: {  	s12 =	simm.s32 $0x1  }
0x2c: {  	_ =	swait.ge [sflag:s5], $0x800;
	s12 =	simm.s32 @!p0 $0x0  }
0x2d: {  	[sflag:s5] =	ssyncset.done $0x0;
	s13 =	sshll.u32 s12, $0xB  }
0x2e: {  	[sflag:s5] =	ssyncadd.s32 $0xFFFFF800;
	s15 =	sor.u32 $0x40, s13  }
0x2f: {  	v3 =	vld [tilespmem:s15+$0x30]  }
0x30: {  	s12 =	smul.u32 $0x2040, s12;
	v4 =	vld [tilespmem:s15+$0xFFFFFFD0]  }
0x31: {  	v5 =	vld [tilespmem:s15+$0xFFFFFFE0]  }
0x32: {  	s31 =	sand.u32 $0x1, s10;
	s12 =	sshrl.u32 s12, $0x2;
	v1 =	vld [tilespmem:s15+$0xFFFFFFF0]  }
0x33: {  	s13 =	smul.u32 $0x2040, s31;
	v2 =	vld [tilespmem:s15+$0x0];
	s12 =	sor.u32 $0x1007, s12  }
0x34: {  	v0 =	vld [tilespmem:s15+$0x10];
	[tilespmem:s12+$0x0 ss:$0x81] =	vst.msk $0xffff, v3  }
0x35: {  	s13 =	sshrl.u32 s13, $0x2;
	[tilespmem:s12+$0xFFFFFFFA ss:$0x81] =	vst.msk $0xffff, v4;
	v4 =	vld [tilespmem:s15+$0x20]  }
0x36: {  	s14 =	simm.s32 $0x0;
	s13 =	sor.u32 $0x1000, s13;
	v3 =	vld [tilespmem:s15+$0xFFFFFFC0];
	[tilespmem:s12+$0xFFFFFFFB ss:$0x81] =	vst.msk $0xffff, v5;
	s15 =	sadd.s32 $0x80, s15  }
.LBB1_3:
0x37: {  	v5 =	vld [tilespmem:s15+$0x30];
	s14 =	sadd.s32 $0x8, s14;
	[tilespmem:s12+$0xFFFFFFFC ss:$0x81] =	vst.msk $0xffff, v1  }
0x38: {  	v6 =	vld [tilespmem:s15+$0xFFFFFFD0];
	p1 =	slt.u32 s14, $0x78;
	[tilespmem:s12+$0xFFFFFFFD ss:$0x81] =	vst.msk $0xffff, v2  }
0x39: {  	v7 =	vld [tilespmem:s15+$0xFFFFFFE0];
	[tilespmem:s12+$0xFFFFFFFE ss:$0x81] =	vst.msk $0xffff, v0  }
.Ltmp3:
0x3a: {  	v1 =	vld [tilespmem:s15+$0xFFFFFFF0];
	[tilespmem:s12+$0xFFFFFFFF ss:$0x81] =	vst.msk $0xffff, v4;
	(pc) =	sbr.rel @p1 .LBB1_3-.Ltmp3, $4  }
0x3b: {  	v2 =	vld [tilespmem:s15+$0x0];
	[tilespmem:s12+$0xFFFFFFF9 ss:$0x81] =	vst.msk $0xffff, v3;
	s12 =	sadd.s32 $0x8, s12  }
0x3c: {  	v0 =	vld [tilespmem:s15+$0x10];
	[tilespmem:s12+$0x0 ss:$0x81] =	vst.msk $0xffff, v5  }
0x3d: {  	[tilespmem:s12+$0xFFFFFFFA ss:$0x81] =	vst.msk $0xffff, v6;
	v4 =	vld [tilespmem:s15+$0x20]  }
0x3e: {  	v3 =	vld [tilespmem:s15+$0xFFFFFFC0];
	[tilespmem:s12+$0xFFFFFFFB ss:$0x81] =	vst.msk $0xffff, v7;
	s15 =	sadd.s32 $0x80, s15  }
.Ltmp4:
0x3f: {  	_ = 	snop;
	(pc) =	sbr.rel .LBB1_4-.Ltmp4, $1  }
0x40: {  	_ =	sdelay $0x3  }
.LBB1_6:
0x41: {  	_ =	sfence.sel $0x180000  }
0x42: {  	s2 =	simm.s32 $0x1;
	[bflag:$0x0] =	sbarrier.arrive $0xFFFF  }
0x43: {  	s31 =	simm.s32 $0x2;
	[sflag:s2] =	ssyncpa.u1 $0x1  }
0x44: {  	[sflag:s31] =	ssyncpa.u1 $0x1  }
0x45: {  	p0 =	sne.s32 s0, $0x0;
	_ =	strace $0x9000004A  }
0x46: {  	s0 =	sadd.s32 @!p0 $0x100000, s1;
	[bflag:$0x2] =	sbarrier.arrive $0xFFFF  }
0x47: {  	[sflag:s0] =	ssyncadd.tile.s32 @!p0 $0x1;
	_ =	shalt  }
.Lfunc_end1:
_tile_overlayer_lowered:
.L_overlay_start_2:
0x48: {  	(tag) =	ssettag $0x2  }
0x49: {  	s0 =	rddreg [dreg:$0x0];
	s2 =	stileid.u32  }
0x4a: {  	s1 =	rddreg [dreg:$0x1];
	p0 =	sne.s32 s2, $0x0  }
0x4b: {  	s3 =	rddreg [dreg:$0x2];
	[bflag:$0x3] =	sbarrier.arrive $0xFFFF;
	s2 =	simm.s32 @!p0 $0x1C01  }
0x4c: {  	[timem:s3], [sflag:s2] =	dma.local @!p0 [hbm:s0], s1  }
0x4d: {  	s0 =	simm.s32 @!p0 $0x1  }
0x4e: {  	_ =	swait.ge @!p0 [sflag:s0], s1  }
0x4f: {  	s1 =	ssub.s32 @!p0 $0x0, s1;
	[sflag:s0] =	ssyncset.done @!p0 $0x0  }
0x50: {  	[sflag:s0] =	ssyncadd.s32 @!p0 s1  }
0x51: {  	[bflag:$0x3] =	sbarrier.arrive $0xFFFF  }
0x52: {  	_ =	shalt  }

</sc_bundles>
